<compile_context>
chip_gen: v7x
topology: tpu7x:2x2x1
jax: 0.10.2.dev20260603
libtpu: 0.0.44.dev20260713+nightly
codegen_flags: <defaults>
</compile_context>

<pallas_src>
import functools

import jax
import jax.numpy as jnp
from jax import lax
from jax.experimental import pallas as pl
from jax.experimental.pallas import tpu as pltpu
from jax.experimental.pallas import tpu_sc as plsc

N_NODES = 10000
N_EDGES = 320000
D_IN = 128
D_HID = 16

NC = 2
NS = 16
NW = NC * NS
EPW = N_EDGES // NW
CH = 125
NCH = EPW // CH
N_PAD = 10240
RPT = N_PAD // NS
MCH = 16
NMG = NCH // MCH
MGE = MCH * CH

_mesh = plsc.VectorSubcoreMesh(core_axis_name="c", subcore_axis_name="s")
_sc_params = pltpu.CompilerParams(use_tc_tiling_on_sc=False)


@functools.partial(
    pl.kernel,
    out_type=jax.ShapeDtypeStruct((NC, N_PAD), jnp.float32),
    mesh=_mesh,
    scratch_types=[
        pltpu.VMEM((NMG, MGE), jnp.int32),
        pltpu.VMEM((MGE,), jnp.float32),
        pltpu.VMEM_SHARED((N_PAD,), jnp.float32),
        pltpu.SemaphoreType.DMA,
    ],
    compiler_params=_sc_params,
)
def _deg_pass(edges_hbm, ones_hbm, zeros_hbm, out_hbm, dstv, onesv, acc, sem):
    cid = lax.axis_index("c")
    sid = lax.axis_index("s")
    wid = cid * NS + sid
    pltpu.sync_copy(zeros_hbm.at[pl.ds(sid * RPT, RPT)],
                    acc.at[pl.ds(sid * RPT, RPT)])
    pltpu.sync_copy(ones_hbm, onesv)
    pltpu.sync_copy(edges_hbm.at[1, wid], dstv)
    plsc.subcore_barrier()

    for m in range(NMG):
        pltpu.async_copy(onesv, acc.at[dstv.at[m]], sem, add=True)
    for m in range(NMG):
        pltpu.make_async_copy(onesv, acc.at[dstv.at[m]], sem).wait()
    plsc.subcore_barrier()
    pltpu.sync_copy(acc.at[pl.ds(sid * RPT, RPT)],
                    out_hbm.at[cid, pl.ds(sid * RPT, RPT)])


@functools.partial(
    pl.kernel,
    out_type=jax.ShapeDtypeStruct((NC, N_PAD, D_HID), jnp.float32),
    mesh=_mesh,
    scratch_types=[
        pltpu.VMEM((NMG, MGE), jnp.int32),
        pltpu.VMEM((NMG, MGE), jnp.int32),
        pltpu.VMEM((MGE, D_HID), jnp.float32),
        pltpu.VMEM((MGE, D_HID), jnp.float32),
        pltpu.VMEM((MGE, D_HID), jnp.float32),
        pltpu.VMEM_SHARED((N_PAD, D_HID), jnp.float32),
        [pltpu.SemaphoreType.DMA] * 3,
        [pltpu.SemaphoreType.DMA] * 3,
    ],
    compiler_params=_sc_params,
)
def _agg_pass(table_hbm, edges_hbm, zeros_hbm, out_hbm,
              srcv, dstv, buf0, buf1, buf2, acc, sg, ss):
    cid = lax.axis_index("c")
    sid = lax.axis_index("s")
    wid = cid * NS + sid
    pltpu.sync_copy(zeros_hbm.at[pl.ds(sid * RPT, RPT)],
                    acc.at[pl.ds(sid * RPT, RPT)])
    pltpu.sync_copy(edges_hbm.at[0, wid], srcv)
    pltpu.sync_copy(edges_hbm.at[1, wid], dstv)
    plsc.subcore_barrier()

    bufs = [buf0, buf1, buf2]

    def _fire_gather(m):
        s = m % 3
        pltpu.async_copy(table_hbm.at[srcv.at[m]], bufs[s], sg[s])

    def _drain_gather(m):
        s = m % 3
        pltpu.make_async_copy(table_hbm.at[srcv.at[m]], bufs[s],
                              sg[s]).wait()

    def _fire_scatter(m):
        s = m % 3
        pltpu.async_copy(bufs[s], acc.at[dstv.at[m]], ss[s], add=True)

    def _drain_scatter(m):
        s = m % 3
        pltpu.make_async_copy(bufs[s], acc.at[dstv.at[m]], ss[s]).wait()

    _fire_gather(0)
    _fire_gather(1)
    for m in range(NMG):
        _drain_gather(m)
        _fire_scatter(m)
        if m + 2 < NMG:
            if m >= 1:
                _drain_scatter(m - 1)
            _fire_gather(m + 2)
    for m in range(NMG - 3, NMG):
        _drain_scatter(m)

    plsc.subcore_barrier()
    pltpu.sync_copy(acc.at[pl.ds(sid * RPT, RPT)],
                    out_hbm.at[cid, pl.ds(sid * RPT, RPT)])


def _scale_body(x_ref, w_ref, dp_ref, o_ref, dinv_ref):
    deg = dp_ref[0] + dp_ref[1] + 1.0
    dinv = lax.rsqrt(deg).reshape(N_PAD, 1)
    dinv_ref[...] = dinv
    h1 = jnp.dot(x_ref[...], w_ref[...], preferred_element_type=jnp.float32)
    o_ref[0:N_NODES, :] = h1 * dinv[0:N_NODES]
    o_ref[N_NODES:N_PAD, :] = jnp.zeros((N_PAD - N_NODES, D_HID), jnp.float32)


def _layer1_body(pp_ref, hn_ref, dinv_ref, b1_ref, o_ref):
    dinv = dinv_ref[...]
    hn = hn_ref[...]
    agg = pp_ref[0] + pp_ref[1] + hn
    r = jnp.maximum(agg * dinv + b1_ref[...], 0.0)
    o_ref[...] = r * dinv


def _layer2_body(pp_ref, rn_ref, dinv_ref, w2_ref, b2_ref, o_ref):
    agg = (pp_ref[0][0:N_NODES, :] + pp_ref[1][0:N_NODES, :]
           + rn_ref[0:N_NODES, :])
    out = jnp.dot(agg, w2_ref[...], preferred_element_type=jnp.float32)
    o_ref[...] = out * dinv_ref[0:N_NODES, :] + b2_ref[...]


@jax.jit
def kernel(x, edge_index, W1, b1, W2, b2):
    if edge_index.dtype != jnp.int32:
        edge_index = edge_index.astype(jnp.int32)
    edges = edge_index.reshape(2, NW, NMG, MGE)
    ones_h = jnp.ones((MGE,), jnp.float32)
    zeros1 = jnp.zeros((N_PAD,), jnp.float32)
    zeros2 = jnp.zeros((N_PAD, D_HID), jnp.float32)

    degp = _deg_pass(edges, ones_h, zeros1)

    hn1, dinv = pl.pallas_call(
        _scale_body,
        out_shape=[jax.ShapeDtypeStruct((N_PAD, D_HID), jnp.float32),
                   jax.ShapeDtypeStruct((N_PAD, 1), jnp.float32)],
    )(x, W1, degp)

    pp1 = _agg_pass(hn1, edges, zeros2)

    rn = pl.pallas_call(
        _layer1_body,
        out_shape=jax.ShapeDtypeStruct((N_PAD, D_HID), jnp.float32),
    )(pp1, hn1, dinv, b1.reshape(1, D_HID))

    pp2 = _agg_pass(rn, edges, zeros2)

    return pl.pallas_call(
        _layer2_body,
        out_shape=jax.ShapeDtypeStruct((N_NODES, 1), jnp.float32),
    )(pp2, rn, dinv, W2, b2.reshape(1, 1))

# --- scband reference (transcript-rebuilt; emitter-appended) ---
"""Pipeline reference for scband-gnn-37598143709464 (READ-ONLY COPY).

The authoritative reference and input builder live on the scoring server;
editing this copy changes nothing except your own understanding.
"""

import jax, jax.numpy as jnp
import numpy as np

N_NODES = 10000
N_EDGES = 320000
D_IN = 128
D_HID = 16
D_OUT = 1


def setup_inputs(seed: int = 0) -> dict:
    key = jax.random.key(seed)
    k1, k2, k3, k4, k5 = jax.random.split(key, 5)
    x = jax.random.normal(k1, (N_NODES, D_IN), dtype=jnp.float32)
    edge_index = jax.random.randint(k2, (2, N_EDGES), 0, N_NODES, dtype=jnp.int64)
    W1 = jax.random.normal(k3, (D_IN, D_HID), dtype=jnp.float32) * (1.0 / np.sqrt(D_IN))
    b1 = jnp.zeros((D_HID,), dtype=jnp.float32)
    W2 = jax.random.normal(k4, (D_HID, D_OUT), dtype=jnp.float32) * (1.0 / np.sqrt(D_HID))
    b2 = jnp.zeros((D_OUT,), dtype=jnp.float32)
    return {"x": x, "edge_index": edge_index, "W1": W1, "b1": b1, "W2": W2, "b2": b2}


def _gcn_conv(x, src, dst, W, b):
    # GCNConv with self-loops and symmetric normalization (torch_geometric semantics)
    N = x.shape[0]
    h = x @ W  # linear transform first
    deg = jnp.zeros((N,), dtype=jnp.float32).at[dst].add(1.0)
    dinv = jnp.where(deg > 0, deg ** -0.5, 0.0)
    norm = dinv[src] * dinv[dst]
    msg = h[src] * norm[:, None]           # gather (memory-bound)
    out = jnp.zeros((N, W.shape[1]), dtype=jnp.float32).at[dst].add(msg)  # scatter-add
    return out + b


def reference(x, edge_index, W1, b1, W2, b2):
    N = x.shape[0]
    loop = jnp.arange(N, dtype=edge_index.dtype)
    src = jnp.concatenate([edge_index[0], loop])
    dst = jnp.concatenate([edge_index[1], loop])
    h = _gcn_conv(x, src, dst, W1, b1)
    h = jax.nn.relu(h)
    out = _gcn_conv(h, src, dst, W2, b2)
    return out

if __name__ == "__main__":
    import jax
    _d = setup_inputs()
    print(jax.jit(kernel)(*tuple(_d.values())))

</pallas_src>

<mosaic_0001>
#map = affine_map<(d0, d1) -> (0, 0)>
#map1 = affine_map<(d0, d1) -> (0, 0, 0, 0)>
#map2 = affine_map<(d0, d1) -> (0, 0, 0)>
module attributes {stable_mosaic.version = 14 : i64} {
  func.func @_agg_pass(%arg0: i32, %arg1: i32, %arg2: memref<10240x16xf32, #tpu.memory_space<hbm>>, %arg3: memref<2x32x5x2000xi32, #tpu.memory_space<hbm>>, %arg4: memref<10240x16xf32, #tpu.memory_space<hbm>>, %arg5: memref<2x10240x16xf32, #tpu.memory_space<hbm>>, %arg6: memref<5x2000xi32, #tpu.memory_space<vmem>>, %arg7: memref<5x2000xi32, #tpu.memory_space<vmem>>, %arg8: memref<2000x16xf32, #tpu.memory_space<vmem>>, %arg9: memref<2000x16xf32, #tpu.memory_space<vmem>>, %arg10: memref<2000x16xf32, #tpu.memory_space<vmem>>, %arg11: memref<10240x16xf32, #tpu.memory_space<vmem_shared>>, %arg12: memref<!tpu.dma_semaphore, #tpu.memory_space<semaphore_mem>>, %arg13: memref<!tpu.dma_semaphore, #tpu.memory_space<semaphore_mem>>, %arg14: memref<!tpu.dma_semaphore, #tpu.memory_space<semaphore_mem>>, %arg15: memref<!tpu.dma_semaphore, #tpu.memory_space<semaphore_mem>>, %arg16: memref<!tpu.dma_semaphore, #tpu.memory_space<semaphore_mem>>, %arg17: memref<!tpu.dma_semaphore, #tpu.memory_space<semaphore_mem>>) attributes {dimension_semantics = [#tpu.dimension_semantics<core_parallel>, #tpu.dimension_semantics<subcore_parallel>], iteration_bounds = array<i64: 2, 16>, scalar_prefetch = 0 : i64, scratch_operands = 12 : i64, tpu.core_type = #tpu.core_type<sc_vector_subcore>, window_params = [{transform_indices = #map}, {transform_indices = #map1}, {transform_indices = #map}, {transform_indices = #map2}]} {
    %mul3A = arith.constant 16 : i32
    %mul3A_0 = arith.muli %arg0, %mul3A : i32
    %add3A = arith.addi %mul3A_0, %arg1 : i32
    %mul3A_1 = arith.constant 640 : i32
    %mul3A_2 = arith.muli %arg1, %mul3A_1 : i32
    %mul3A_3 = arith.constant 640 : i32
    %mul3A_4 = arith.muli %arg1, %mul3A_3 : i32
    "tpu.region"() ({
      %run_scoped3A_149 = tpu.sem_alloc : memref<!tpu.dma_semaphore, #tpu.memory_space<semaphore_mem>>
      %dma_start3A_150 = arith.constant 0 : i32
      %dma_start3A_151 = tpu.memref_slice %arg11[%mul3A_4, %dma_start3A_150] : memref<10240x16xf32, #tpu.memory_space<vmem_shared>> -> memref<640x16xf32, #tpu.memory_space<vmem_shared>>
      %dma_start3A_152 = arith.constant 0 : i32
      %dma_start3A_153 = tpu.memref_slice %arg4[%mul3A_2, %dma_start3A_152] : memref<10240x16xf32, #tpu.memory_space<hbm>> -> memref<640x16xf32, #tpu.memory_space<hbm>>
      tpu.enqueue_dma source(%dma_start3A_153 : memref<640x16xf32, #tpu.memory_space<hbm>>) target(%dma_start3A_151 : memref<640x16xf32, #tpu.memory_space<vmem_shared>>) target_semaphore(%run_scoped3A_149 : memref<!tpu.dma_semaphore, #tpu.memory_space<semaphore_mem>>)
      %dma_wait3A_154 = arith.constant 0 : i32
      %dma_wait3A_155 = tpu.memref_slice %arg11[%mul3A_4, %dma_wait3A_154] : memref<10240x16xf32, #tpu.memory_space<vmem_shared>> -> memref<640x16xf32, #tpu.memory_space<vmem_shared>>
      %dma_wait3A_156 = arith.constant 0 : i32
      %dma_wait3A_157 = tpu.memref_slice %arg4[%mul3A_2, %dma_wait3A_156] : memref<10240x16xf32, #tpu.memory_space<hbm>> -> memref<640x16xf32, #tpu.memory_space<hbm>>
      tpu.wait_dma2 semaphore(%run_scoped3A_149 : memref<!tpu.dma_semaphore, #tpu.memory_space<semaphore_mem>>) src(%dma_wait3A_157 : memref<640x16xf32, #tpu.memory_space<hbm>>) dst(%dma_wait3A_155 : memref<640x16xf32, #tpu.memory_space<vmem_shared>>)
      tpu.yield
    }) : () -> ()
    %run_scoped3A = arith.constant 0 : i32
    "tpu.region"() ({
      %run_scoped3A_149 = tpu.sem_alloc : memref<!tpu.dma_semaphore, #tpu.memory_space<semaphore_mem>>
      %dma_start3A_150 = arith.constant 0 : i32
      %dma_start3A_151 = arith.constant 0 : i32
      %dma_start3A_152 = tpu.memref_slice %arg3[%run_scoped3A, %add3A, %dma_start3A_150, %dma_start3A_151] : memref<2x32x5x2000xi32, #tpu.memory_space<hbm>> -> memref<1x1x5x2000xi32, #tpu.memory_space<hbm>>
      %dma_start3A_153 = tpu.memref_squeeze %dma_start3A_152 : memref<1x1x5x2000xi32, #tpu.memory_space<hbm>> -> memref<5x2000xi32, #tpu.memory_space<hbm>>
      %dma_start3A_154 = arith.constant 0 : i32
      %dma_start3A_155 = arith.constant 0 : i32
      %dma_start3A_156 = tpu.memref_slice %arg3[%run_scoped3A, %add3A, %dma_start3A_154, %dma_start3A_155] : memref<2x32x5x2000xi32, #tpu.memory_space<hbm>> -> memref<1x1x5x2000xi32, #tpu.memory_space<hbm>>
      %dma_start3A_157 = tpu.memref_squeeze %dma_start3A_156 : memref<1x1x5x2000xi32, #tpu.memory_space<hbm>> -> memref<5x2000xi32, #tpu.memory_space<hbm>>
      tpu.enqueue_dma source(%dma_start3A_157 : memref<5x2000xi32, #tpu.memory_space<hbm>>) target(%arg6 : memref<5x2000xi32, #tpu.memory_space<vmem>>) target_semaphore(%run_scoped3A_149 : memref<!tpu.dma_semaphore, #tpu.memory_space<semaphore_mem>>)
      %dma_wait3A_158 = arith.constant 0 : i32
      %dma_wait3A_159 = arith.constant 0 : i32
      %dma_wait3A_160 = tpu.memref_slice %arg3[%run_scoped3A, %add3A, %dma_wait3A_158, %dma_wait3A_159] : memref<2x32x5x2000xi32, #tpu.memory_space<hbm>> -> memref<1x1x5x2000xi32, #tpu.memory_space<hbm>>
      %dma_wait3A_161 = tpu.memref_squeeze %dma_wait3A_160 : memref<1x1x5x2000xi32, #tpu.memory_space<hbm>> -> memref<5x2000xi32, #tpu.memory_space<hbm>>
      %dma_wait3A_162 = arith.constant 0 : i32
      %dma_wait3A_163 = arith.constant 0 : i32
      %dma_wait3A_164 = tpu.memref_slice %arg3[%run_scoped3A, %add3A, %dma_wait3A_162, %dma_wait3A_163] : memref<2x32x5x2000xi32, #tpu.memory_space<hbm>> -> memref<1x1x5x2000xi32, #tpu.memory_space<hbm>>
      %dma_wait3A_165 = tpu.memref_squeeze %dma_wait3A_164 : memref<1x1x5x2000xi32, #tpu.memory_space<hbm>> -> memref<5x2000xi32, #tpu.memory_space<hbm>>
      tpu.wait_dma2 semaphore(%run_scoped3A_149 : memref<!tpu.dma_semaphore, #tpu.memory_space<semaphore_mem>>) src(%dma_wait3A_165 : memref<5x2000xi32, #tpu.memory_space<hbm>>) dst(%arg6 : memref<5x2000xi32, #tpu.memory_space<vmem>>)
      tpu.yield
    }) : () -> ()
    %run_scoped3A_5 = arith.constant 1 : i32
    "tpu.region"() ({
      %run_scoped3A_149 = tpu.sem_alloc : memref<!tpu.dma_semaphore, #tpu.memory_space<semaphore_mem>>
      %dma_start3A_150 = arith.constant 0 : i32
      %dma_start3A_151 = arith.constant 0 : i32
      %dma_start3A_152 = tpu.memref_slice %arg3[%run_scoped3A_5, %add3A, %dma_start3A_150, %dma_start3A_151] : memref<2x32x5x2000xi32, #tpu.memory_space<hbm>> -> memref<1x1x5x2000xi32, #tpu.memory_space<hbm>>
      %dma_start3A_153 = tpu.memref_squeeze %dma_start3A_152 : memref<1x1x5x2000xi32, #tpu.memory_space<hbm>> -> memref<5x2000xi32, #tpu.memory_space<hbm>>
      %dma_start3A_154 = arith.constant 0 : i32
      %dma_start3A_155 = arith.constant 0 : i32
      %dma_start3A_156 = tpu.memref_slice %arg3[%run_scoped3A_5, %add3A, %dma_start3A_154, %dma_start3A_155] : memref<2x32x5x2000xi32, #tpu.memory_space<hbm>> -> memref<1x1x5x2000xi32, #tpu.memory_space<hbm>>
      %dma_start3A_157 = tpu.memref_squeeze %dma_start3A_156 : memref<1x1x5x2000xi32, #tpu.memory_space<hbm>> -> memref<5x2000xi32, #tpu.memory_space<hbm>>
      tpu.enqueue_dma source(%dma_start3A_157 : memref<5x2000xi32, #tpu.memory_space<hbm>>) target(%arg7 : memref<5x2000xi32, #tpu.memory_space<vmem>>) target_semaphore(%run_scoped3A_149 : memref<!tpu.dma_semaphore, #tpu.memory_space<semaphore_mem>>)
      %dma_wait3A_158 = arith.constant 0 : i32
      %dma_wait3A_159 = arith.constant 0 : i32
      %dma_wait3A_160 = tpu.memref_slice %arg3[%run_scoped3A_5, %add3A, %dma_wait3A_158, %dma_wait3A_159] : memref<2x32x5x2000xi32, #tpu.memory_space<hbm>> -> memref<1x1x5x2000xi32, #tpu.memory_space<hbm>>
      %dma_wait3A_161 = tpu.memref_squeeze %dma_wait3A_160 : memref<1x1x5x2000xi32, #tpu.memory_space<hbm>> -> memref<5x2000xi32, #tpu.memory_space<hbm>>
      %dma_wait3A_162 = arith.constant 0 : i32
      %dma_wait3A_163 = arith.constant 0 : i32
      %dma_wait3A_164 = tpu.memref_slice %arg3[%run_scoped3A_5, %add3A, %dma_wait3A_162, %dma_wait3A_163] : memref<2x32x5x2000xi32, #tpu.memory_space<hbm>> -> memref<1x1x5x2000xi32, #tpu.memory_space<hbm>>
      %dma_wait3A_165 = tpu.memref_squeeze %dma_wait3A_164 : memref<1x1x5x2000xi32, #tpu.memory_space<hbm>> -> memref<5x2000xi32, #tpu.memory_space<hbm>>
      tpu.wait_dma2 semaphore(%run_scoped3A_149 : memref<!tpu.dma_semaphore, #tpu.memory_space<semaphore_mem>>) src(%dma_wait3A_165 : memref<5x2000xi32, #tpu.memory_space<hbm>>) dst(%arg7 : memref<5x2000xi32, #tpu.memory_space<vmem>>)
      tpu.yield
    }) : () -> ()
    %barrier3A = arith.constant 0 : index
    tpu.barrier barrier_id(%barrier3A)
    %dma_start3A = arith.constant 0 : i32
    %dma_start3A_6 = arith.constant 0 : i32
    %dma_start3A_7 = tpu.memref_slice %arg6[%dma_start3A, %dma_start3A_6] : memref<5x2000xi32, #tpu.memory_space<vmem>> -> memref<1x2000xi32, #tpu.memory_space<vmem>>
    %dma_start3A_8 = tpu.memref_squeeze %dma_start3A_7 : memref<1x2000xi32, #tpu.memory_space<vmem>> -> memref<2000xi32, #tpu.memory_space<vmem>>
    %dma_start3A_9 = arith.constant 0 : i32
    %dma_start3A_10 = arith.constant 0 : i32
    %dma_start3A_11 = tpu.memref_slice %arg2[%dma_start3A_9, %dma_start3A_10] : memref<10240x16xf32, #tpu.memory_space<hbm>> -> memref<10240x16xf32, #tpu.memory_space<hbm>>
    tpu.enqueue_indirect_dma source(%dma_start3A_11 : memref<10240x16xf32, #tpu.memory_space<hbm>>) target(%arg8 : memref<2000x16xf32, #tpu.memory_space<vmem>>) offsets(%dma_start3A_8 : memref<2000xi32, #tpu.memory_space<vmem>>) semaphore(%arg12 : memref<!tpu.dma_semaphore, #tpu.memory_space<semaphore_mem>>)
    %dma_start3A_12 = arith.constant 1 : i32
    %dma_start3A_13 = arith.constant 0 : i32
    %dma_start3A_14 = tpu.memref_slice %arg6[%dma_start3A_12, %dma_start3A_13] : memref<5x2000xi32, #tpu.memory_space<vmem>> -> memref<1x2000xi32, #tpu.memory_space<vmem>>
    %dma_start3A_15 = tpu.memref_squeeze %dma_start3A_14 : memref<1x2000xi32, #tpu.memory_space<vmem>> -> memref<2000xi32, #tpu.memory_space<vmem>>
    %dma_start3A_16 = arith.constant 0 : i32
    %dma_start3A_17 = arith.constant 0 : i32
    %dma_start3A_18 = tpu.memref_slice %arg2[%dma_start3A_16, %dma_start3A_17] : memref<10240x16xf32, #tpu.memory_space<hbm>> -> memref<10240x16xf32, #tpu.memory_space<hbm>>
    tpu.enqueue_indirect_dma source(%dma_start3A_18 : memref<10240x16xf32, #tpu.memory_space<hbm>>) target(%arg9 : memref<2000x16xf32, #tpu.memory_space<vmem>>) offsets(%dma_start3A_15 : memref<2000xi32, #tpu.memory_space<vmem>>) semaphore(%arg13 : memref<!tpu.dma_semaphore, #tpu.memory_space<semaphore_mem>>)
    %dma_wait3A = arith.constant 0 : i32
    %dma_wait3A_19 = arith.constant 0 : i32
    %dma_wait3A_20 = tpu.memref_slice %arg6[%dma_wait3A, %dma_wait3A_19] : memref<5x2000xi32, #tpu.memory_space<vmem>> -> memref<1x2000xi32, #tpu.memory_space<vmem>>
    %dma_wait3A_21 = tpu.memref_squeeze %dma_wait3A_20 : memref<1x2000xi32, #tpu.memory_space<vmem>> -> memref<2000xi32, #tpu.memory_space<vmem>>
    %dma_wait3A_22 = arith.constant 0 : i32
    %dma_wait3A_23 = arith.constant 0 : i32
    %dma_wait3A_24 = tpu.memref_slice %arg2[%dma_wait3A_22, %dma_wait3A_23] : memref<10240x16xf32, #tpu.memory_space<hbm>> -> memref<10240x16xf32, #tpu.memory_space<hbm>>
    tpu.wait_indirect_dma semaphore(%arg12 : memref<!tpu.dma_semaphore, #tpu.memory_space<semaphore_mem>>) src(%dma_wait3A_24 : memref<10240x16xf32, #tpu.memory_space<hbm>>) dst(%arg8 : memref<2000x16xf32, #tpu.memory_space<vmem>>)
    %dma_start3A_25 = arith.constant 0 : i32
    %dma_start3A_26 = arith.constant 0 : i32
    %dma_start3A_27 = tpu.memref_slice %arg7[%dma_start3A_25, %dma_start3A_26] : memref<5x2000xi32, #tpu.memory_space<vmem>> -> memref<1x2000xi32, #tpu.memory_space<vmem>>
    %dma_start3A_28 = tpu.memref_squeeze %dma_start3A_27 : memref<1x2000xi32, #tpu.memory_space<vmem>> -> memref<2000xi32, #tpu.memory_space<vmem>>
    %dma_start3A_29 = arith.constant 0 : i32
    %dma_start3A_30 = arith.constant 0 : i32
    %dma_start3A_31 = tpu.memref_slice %arg11[%dma_start3A_29, %dma_start3A_30] : memref<10240x16xf32, #tpu.memory_space<vmem_shared>> -> memref<10240x16xf32, #tpu.memory_space<vmem_shared>>
    tpu.enqueue_indirect_dma source(%arg8 : memref<2000x16xf32, #tpu.memory_space<vmem>>) target(%dma_start3A_31 : memref<10240x16xf32, #tpu.memory_space<vmem_shared>>) offsets(%dma_start3A_28 : memref<2000xi32, #tpu.memory_space<vmem>>) semaphore(%arg15 : memref<!tpu.dma_semaphore, #tpu.memory_space<semaphore_mem>>) {add = true}
    %dma_start3A_32 = arith.constant 2 : i32
    %dma_start3A_33 = arith.constant 0 : i32
    %dma_start3A_34 = tpu.memref_slice %arg6[%dma_start3A_32, %dma_start3A_33] : memref<5x2000xi32, #tpu.memory_space<vmem>> -> memref<1x2000xi32, #tpu.memory_space<vmem>>
    %dma_start3A_35 = tpu.memref_squeeze %dma_start3A_34 : memref<1x2000xi32, #tpu.memory_space<vmem>> -> memref<2000xi32, #tpu.memory_space<vmem>>
    %dma_start3A_36 = arith.constant 0 : i32
    %dma_start3A_37 = arith.constant 0 : i32
    %dma_start3A_38 = tpu.memref_slice %arg2[%dma_start3A_36, %dma_start3A_37] : memref<10240x16xf32, #tpu.memory_space<hbm>> -> memref<10240x16xf32, #tpu.memory_space<hbm>>
    tpu.enqueue_indirect_dma source(%dma_start3A_38 : memref<10240x16xf32, #tpu.memory_space<hbm>>) target(%arg10 : memref<2000x16xf32, #tpu.memory_space<vmem>>) offsets(%dma_start3A_35 : memref<2000xi32, #tpu.memory_space<vmem>>) semaphore(%arg14 : memref<!tpu.dma_semaphore, #tpu.memory_space<semaphore_mem>>)
    %dma_wait3A_39 = arith.constant 1 : i32
    %dma_wait3A_40 = arith.constant 0 : i32
    %dma_wait3A_41 = tpu.memref_slice %arg6[%dma_wait3A_39, %dma_wait3A_40] : memref<5x2000xi32, #tpu.memory_space<vmem>> -> memref<1x2000xi32, #tpu.memory_space<vmem>>
    %dma_wait3A_42 = tpu.memref_squeeze %dma_wait3A_41 : memref<1x2000xi32, #tpu.memory_space<vmem>> -> memref<2000xi32, #tpu.memory_space<vmem>>
    %dma_wait3A_43 = arith.constant 0 : i32
    %dma_wait3A_44 = arith.constant 0 : i32
    %dma_wait3A_45 = tpu.memref_slice %arg2[%dma_wait3A_43, %dma_wait3A_44] : memref<10240x16xf32, #tpu.memory_space<hbm>> -> memref<10240x16xf32, #tpu.memory_space<hbm>>
    tpu.wait_indirect_dma semaphore(%arg13 : memref<!tpu.dma_semaphore, #tpu.memory_space<semaphore_mem>>) src(%dma_wait3A_45 : memref<10240x16xf32, #tpu.memory_space<hbm>>) dst(%arg9 : memref<2000x16xf32, #tpu.memory_space<vmem>>)
    %dma_start3A_46 = arith.constant 1 : i32
    %dma_start3A_47 = arith.constant 0 : i32
    %dma_start3A_48 = tpu.memref_slice %arg7[%dma_start3A_46, %dma_start3A_47] : memref<5x2000xi32, #tpu.memory_space<vmem>> -> memref<1x2000xi32, #tpu.memory_space<vmem>>
    %dma_start3A_49 = tpu.memref_squeeze %dma_start3A_48 : memref<1x2000xi32, #tpu.memory_space<vmem>> -> memref<2000xi32, #tpu.memory_space<vmem>>
    %dma_start3A_50 = arith.constant 0 : i32
    %dma_start3A_51 = arith.constant 0 : i32
    %dma_start3A_52 = tpu.memref_slice %arg11[%dma_start3A_50, %dma_start3A_51] : memref<10240x16xf32, #tpu.memory_space<vmem_shared>> -> memref<10240x16xf32, #tpu.memory_space<vmem_shared>>
    tpu.enqueue_indirect_dma source(%arg9 : memref<2000x16xf32, #tpu.memory_space<vmem>>) target(%dma_start3A_52 : memref<10240x16xf32, #tpu.memory_space<vmem_shared>>) offsets(%dma_start3A_49 : memref<2000xi32, #tpu.memory_space<vmem>>) semaphore(%arg16 : memref<!tpu.dma_semaphore, #tpu.memory_space<semaphore_mem>>) {add = true}
    %dma_wait3A_53 = arith.constant 0 : i32
    %dma_wait3A_54 = arith.constant 0 : i32
    %dma_wait3A_55 = tpu.memref_slice %arg7[%dma_wait3A_53, %dma_wait3A_54] : memref<5x2000xi32, #tpu.memory_space<vmem>> -> memref<1x2000xi32, #tpu.memory_space<vmem>>
    %dma_wait3A_56 = tpu.memref_squeeze %dma_wait3A_55 : memref<1x2000xi32, #tpu.memory_space<vmem>> -> memref<2000xi32, #tpu.memory_space<vmem>>
    %dma_wait3A_57 = arith.constant 0 : i32
    %dma_wait3A_58 = arith.constant 0 : i32
    %dma_wait3A_59 = tpu.memref_slice %arg11[%dma_wait3A_57, %dma_wait3A_58] : memref<10240x16xf32, #tpu.memory_space<vmem_shared>> -> memref<10240x16xf32, #tpu.memory_space<vmem_shared>>
    tpu.wait_indirect_dma semaphore(%arg15 : memref<!tpu.dma_semaphore, #tpu.memory_space<semaphore_mem>>) src(%arg8 : memref<2000x16xf32, #tpu.memory_space<vmem>>) dst(%dma_wait3A_59 : memref<10240x16xf32, #tpu.memory_space<vmem_shared>>)
    %dma_start3A_60 = arith.constant 3 : i32
    %dma_start3A_61 = arith.constant 0 : i32
    %dma_start3A_62 = tpu.memref_slice %arg6[%dma_start3A_60, %dma_start3A_61] : memref<5x2000xi32, #tpu.memory_space<vmem>> -> memref<1x2000xi32, #tpu.memory_space<vmem>>
    %dma_start3A_63 = tpu.memref_squeeze %dma_start3A_62 : memref<1x2000xi32, #tpu.memory_space<vmem>> -> memref<2000xi32, #tpu.memory_space<vmem>>
    %dma_start3A_64 = arith.constant 0 : i32
    %dma_start3A_65 = arith.constant 0 : i32
    %dma_start3A_66 = tpu.memref_slice %arg2[%dma_start3A_64, %dma_start3A_65] : memref<10240x16xf32, #tpu.memory_space<hbm>> -> memref<10240x16xf32, #tpu.memory_space<hbm>>
    tpu.enqueue_indirect_dma source(%dma_start3A_66 : memref<10240x16xf32, #tpu.memory_space<hbm>>) target(%arg8 : memref<2000x16xf32, #tpu.memory_space<vmem>>) offsets(%dma_start3A_63 : memref<2000xi32, #tpu.memory_space<vmem>>) semaphore(%arg12 : memref<!tpu.dma_semaphore, #tpu.memory_space<semaphore_mem>>)
    %dma_wait3A_67 = arith.constant 2 : i32
    %dma_wait3A_68 = arith.constant 0 : i32
    %dma_wait3A_69 = tpu.memref_slice %arg6[%dma_wait3A_67, %dma_wait3A_68] : memref<5x2000xi32, #tpu.memory_space<vmem>> -> memref<1x2000xi32, #tpu.memory_space<vmem>>
    %dma_wait3A_70 = tpu.memref_squeeze %dma_wait3A_69 : memref<1x2000xi32, #tpu.memory_space<vmem>> -> memref<2000xi32, #tpu.memory_space<vmem>>
    %dma_wait3A_71 = arith.constant 0 : i32
    %dma_wait3A_72 = arith.constant 0 : i32
    %dma_wait3A_73 = tpu.memref_slice %arg2[%dma_wait3A_71, %dma_wait3A_72] : memref<10240x16xf32, #tpu.memory_space<hbm>> -> memref<10240x16xf32, #tpu.memory_space<hbm>>
    tpu.wait_indirect_dma semaphore(%arg14 : memref<!tpu.dma_semaphore, #tpu.memory_space<semaphore_mem>>) src(%dma_wait3A_73 : memref<10240x16xf32, #tpu.memory_space<hbm>>) dst(%arg10 : memref<2000x16xf32, #tpu.memory_space<vmem>>)
    %dma_start3A_74 = arith.constant 2 : i32
    %dma_start3A_75 = arith.constant 0 : i32
    %dma_start3A_76 = tpu.memref_slice %arg7[%dma_start3A_74, %dma_start3A_75] : memref<5x2000xi32, #tpu.memory_space<vmem>> -> memref<1x2000xi32, #tpu.memory_space<vmem>>
    %dma_start3A_77 = tpu.memref_squeeze %dma_start3A_76 : memref<1x2000xi32, #tpu.memory_space<vmem>> -> memref<2000xi32, #tpu.memory_space<vmem>>
    %dma_start3A_78 = arith.constant 0 : i32
    %dma_start3A_79 = arith.constant 0 : i32
    %dma_start3A_80 = tpu.memref_slice %arg11[%dma_start3A_78, %dma_start3A_79] : memref<10240x16xf32, #tpu.memory_space<vmem_shared>> -> memref<10240x16xf32, #tpu.memory_space<vmem_shared>>
    tpu.enqueue_indirect_dma source(%arg10 : memref<2000x16xf32, #tpu.memory_space<vmem>>) target(%dma_start3A_80 : memref<10240x16xf32, #tpu.memory_space<vmem_shared>>) offsets(%dma_start3A_77 : memref<2000xi32, #tpu.memory_space<vmem>>) semaphore(%arg17 : memref<!tpu.dma_semaphore, #tpu.memory_space<semaphore_mem>>) {add = true}
    %dma_wait3A_81 = arith.constant 1 : i32
    %dma_wait3A_82 = arith.constant 0 : i32
    %dma_wait3A_83 = tpu.memref_slice %arg7[%dma_wait3A_81, %dma_wait3A_82] : memref<5x2000xi32, #tpu.memory_space<vmem>> -> memref<1x2000xi32, #tpu.memory_space<vmem>>
    %dma_wait3A_84 = tpu.memref_squeeze %dma_wait3A_83 : memref<1x2000xi32, #tpu.memory_space<vmem>> -> memref<2000xi32, #tpu.memory_space<vmem>>
    %dma_wait3A_85 = arith.constant 0 : i32
    %dma_wait3A_86 = arith.constant 0 : i32
    %dma_wait3A_87 = tpu.memref_slice %arg11[%dma_wait3A_85, %dma_wait3A_86] : memref<10240x16xf32, #tpu.memory_space<vmem_shared>> -> memref<10240x16xf32, #tpu.memory_space<vmem_shared>>
    tpu.wait_indirect_dma semaphore(%arg16 : memref<!tpu.dma_semaphore, #tpu.memory_space<semaphore_mem>>) src(%arg9 : memref<2000x16xf32, #tpu.memory_space<vmem>>) dst(%dma_wait3A_87 : memref<10240x16xf32, #tpu.memory_space<vmem_shared>>)
    %dma_start3A_88 = arith.constant 4 : i32
    %dma_start3A_89 = arith.constant 0 : i32
    %dma_start3A_90 = tpu.memref_slice %arg6[%dma_start3A_88, %dma_start3A_89] : memref<5x2000xi32, #tpu.memory_space<vmem>> -> memref<1x2000xi32, #tpu.memory_space<vmem>>
    %dma_start3A_91 = tpu.memref_squeeze %dma_start3A_90 : memref<1x2000xi32, #tpu.memory_space<vmem>> -> memref<2000xi32, #tpu.memory_space<vmem>>
    %dma_start3A_92 = arith.constant 0 : i32
    %dma_start3A_93 = arith.constant 0 : i32
    %dma_start3A_94 = tpu.memref_slice %arg2[%dma_start3A_92, %dma_start3A_93] : memref<10240x16xf32, #tpu.memory_space<hbm>> -> memref<10240x16xf32, #tpu.memory_space<hbm>>
    tpu.enqueue_indirect_dma source(%dma_start3A_94 : memref<10240x16xf32, #tpu.memory_space<hbm>>) target(%arg9 : memref<2000x16xf32, #tpu.memory_space<vmem>>) offsets(%dma_start3A_91 : memref<2000xi32, #tpu.memory_space<vmem>>) semaphore(%arg13 : memref<!tpu.dma_semaphore, #tpu.memory_space<semaphore_mem>>)
    %dma_wait3A_95 = arith.constant 3 : i32
    %dma_wait3A_96 = arith.constant 0 : i32
    %dma_wait3A_97 = tpu.memref_slice %arg6[%dma_wait3A_95, %dma_wait3A_96] : memref<5x2000xi32, #tpu.memory_space<vmem>> -> memref<1x2000xi32, #tpu.memory_space<vmem>>
    %dma_wait3A_98 = tpu.memref_squeeze %dma_wait3A_97 : memref<1x2000xi32, #tpu.memory_space<vmem>> -> memref<2000xi32, #tpu.memory_space<vmem>>
    %dma_wait3A_99 = arith.constant 0 : i32
    %dma_wait3A_100 = arith.constant 0 : i32
    %dma_wait3A_101 = tpu.memref_slice %arg2[%dma_wait3A_99, %dma_wait3A_100] : memref<10240x16xf32, #tpu.memory_space<hbm>> -> memref<10240x16xf32, #tpu.memory_space<hbm>>
    tpu.wait_indirect_dma semaphore(%arg12 : memref<!tpu.dma_semaphore, #tpu.memory_space<semaphore_mem>>) src(%dma_wait3A_101 : memref<10240x16xf32, #tpu.memory_space<hbm>>) dst(%arg8 : memref<2000x16xf32, #tpu.memory_space<vmem>>)
    %dma_start3A_102 = arith.constant 3 : i32
    %dma_start3A_103 = arith.constant 0 : i32
    %dma_start3A_104 = tpu.memref_slice %arg7[%dma_start3A_102, %dma_start3A_103] : memref<5x2000xi32, #tpu.memory_space<vmem>> -> memref<1x2000xi32, #tpu.memory_space<vmem>>
    %dma_start3A_105 = tpu.memref_squeeze %dma_start3A_104 : memref<1x2000xi32, #tpu.memory_space<vmem>> -> memref<2000xi32, #tpu.memory_space<vmem>>
    %dma_start3A_106 = arith.constant 0 : i32
    %dma_start3A_107 = arith.constant 0 : i32
    %dma_start3A_108 = tpu.memref_slice %arg11[%dma_start3A_106, %dma_start3A_107] : memref<10240x16xf32, #tpu.memory_space<vmem_shared>> -> memref<10240x16xf32, #tpu.memory_space<vmem_shared>>
    tpu.enqueue_indirect_dma source(%arg8 : memref<2000x16xf32, #tpu.memory_space<vmem>>) target(%dma_start3A_108 : memref<10240x16xf32, #tpu.memory_space<vmem_shared>>) offsets(%dma_start3A_105 : memref<2000xi32, #tpu.memory_space<vmem>>) semaphore(%arg15 : memref<!tpu.dma_semaphore, #tpu.memory_space<semaphore_mem>>) {add = true}
    %dma_wait3A_109 = arith.constant 4 : i32
    %dma_wait3A_110 = arith.constant 0 : i32
    %dma_wait3A_111 = tpu.memref_slice %arg6[%dma_wait3A_109, %dma_wait3A_110] : memref<5x2000xi32, #tpu.memory_space<vmem>> -> memref<1x2000xi32, #tpu.memory_space<vmem>>
    %dma_wait3A_112 = tpu.memref_squeeze %dma_wait3A_111 : memref<1x2000xi32, #tpu.memory_space<vmem>> -> memref<2000xi32, #tpu.memory_space<vmem>>
    %dma_wait3A_113 = arith.constant 0 : i32
    %dma_wait3A_114 = arith.constant 0 : i32
    %dma_wait3A_115 = tpu.memref_slice %arg2[%dma_wait3A_113, %dma_wait3A_114] : memref<10240x16xf32, #tpu.memory_space<hbm>> -> memref<10240x16xf32, #tpu.memory_space<hbm>>
    tpu.wait_indirect_dma semaphore(%arg13 : memref<!tpu.dma_semaphore, #tpu.memory_space<semaphore_mem>>) src(%dma_wait3A_115 : memref<10240x16xf32, #tpu.memory_space<hbm>>) dst(%arg9 : memref<2000x16xf32, #tpu.memory_space<vmem>>)
    %dma_start3A_116 = arith.constant 4 : i32
    %dma_start3A_117 = arith.constant 0 : i32
    %dma_start3A_118 = tpu.memref_slice %arg7[%dma_start3A_116, %dma_start3A_117] : memref<5x2000xi32, #tpu.memory_space<vmem>> -> memref<1x2000xi32, #tpu.memory_space<vmem>>
    %dma_start3A_119 = tpu.memref_squeeze %dma_start3A_118 : memref<1x2000xi32, #tpu.memory_space<vmem>> -> memref<2000xi32, #tpu.memory_space<vmem>>
    %dma_start3A_120 = arith.constant 0 : i32
    %dma_start3A_121 = arith.constant 0 : i32
    %dma_start3A_122 = tpu.memref_slice %arg11[%dma_start3A_120, %dma_start3A_121] : memref<10240x16xf32, #tpu.memory_space<vmem_shared>> -> memref<10240x16xf32, #tpu.memory_space<vmem_shared>>
    tpu.enqueue_indirect_dma source(%arg9 : memref<2000x16xf32, #tpu.memory_space<vmem>>) target(%dma_start3A_122 : memref<10240x16xf32, #tpu.memory_space<vmem_shared>>) offsets(%dma_start3A_119 : memref<2000xi32, #tpu.memory_space<vmem>>) semaphore(%arg16 : memref<!tpu.dma_semaphore, #tpu.memory_space<semaphore_mem>>) {add = true}
    %dma_wait3A_123 = arith.constant 2 : i32
    %dma_wait3A_124 = arith.constant 0 : i32
    %dma_wait3A_125 = tpu.memref_slice %arg7[%dma_wait3A_123, %dma_wait3A_124] : memref<5x2000xi32, #tpu.memory_space<vmem>> -> memref<1x2000xi32, #tpu.memory_space<vmem>>
    %dma_wait3A_126 = tpu.memref_squeeze %dma_wait3A_125 : memref<1x2000xi32, #tpu.memory_space<vmem>> -> memref<2000xi32, #tpu.memory_space<vmem>>
    %dma_wait3A_127 = arith.constant 0 : i32
    %dma_wait3A_128 = arith.constant 0 : i32
    %dma_wait3A_129 = tpu.memref_slice %arg11[%dma_wait3A_127, %dma_wait3A_128] : memref<10240x16xf32, #tpu.memory_space<vmem_shared>> -> memref<10240x16xf32, #tpu.memory_space<vmem_shared>>
    tpu.wait_indirect_dma semaphore(%arg17 : memref<!tpu.dma_semaphore, #tpu.memory_space<semaphore_mem>>) src(%arg10 : memref<2000x16xf32, #tpu.memory_space<vmem>>) dst(%dma_wait3A_129 : memref<10240x16xf32, #tpu.memory_space<vmem_shared>>)
    %dma_wait3A_130 = arith.constant 3 : i32
    %dma_wait3A_131 = arith.constant 0 : i32
    %dma_wait3A_132 = tpu.memref_slice %arg7[%dma_wait3A_130, %dma_wait3A_131] : memref<5x2000xi32, #tpu.memory_space<vmem>> -> memref<1x2000xi32, #tpu.memory_space<vmem>>
    %dma_wait3A_133 = tpu.memref_squeeze %dma_wait3A_132 : memref<1x2000xi32, #tpu.memory_space<vmem>> -> memref<2000xi32, #tpu.memory_space<vmem>>
    %dma_wait3A_134 = arith.constant 0 : i32
    %dma_wait3A_135 = arith.constant 0 : i32
    %dma_wait3A_136 = tpu.memref_slice %arg11[%dma_wait3A_134, %dma_wait3A_135] : memref<10240x16xf32, #tpu.memory_space<vmem_shared>> -> memref<10240x16xf32, #tpu.memory_space<vmem_shared>>
    tpu.wait_indirect_dma semaphore(%arg15 : memref<!tpu.dma_semaphore, #tpu.memory_space<semaphore_mem>>) src(%arg8 : memref<2000x16xf32, #tpu.memory_space<vmem>>) dst(%dma_wait3A_136 : memref<10240x16xf32, #tpu.memory_space<vmem_shared>>)
    %dma_wait3A_137 = arith.constant 4 : i32
    %dma_wait3A_138 = arith.constant 0 : i32
    %dma_wait3A_139 = tpu.memref_slice %arg7[%dma_wait3A_137, %dma_wait3A_138] : memref<5x2000xi32, #tpu.memory_space<vmem>> -> memref<1x2000xi32, #tpu.memory_space<vmem>>
    %dma_wait3A_140 = tpu.memref_squeeze %dma_wait3A_139 : memref<1x2000xi32, #tpu.memory_space<vmem>> -> memref<2000xi32, #tpu.memory_space<vmem>>
    %dma_wait3A_141 = arith.constant 0 : i32
    %dma_wait3A_142 = arith.constant 0 : i32
    %dma_wait3A_143 = tpu.memref_slice %arg11[%dma_wait3A_141, %dma_wait3A_142] : memref<10240x16xf32, #tpu.memory_space<vmem_shared>> -> memref<10240x16xf32, #tpu.memory_space<vmem_shared>>
    tpu.wait_indirect_dma semaphore(%arg16 : memref<!tpu.dma_semaphore, #tpu.memory_space<semaphore_mem>>) src(%arg9 : memref<2000x16xf32, #tpu.memory_space<vmem>>) dst(%dma_wait3A_143 : memref<10240x16xf32, #tpu.memory_space<vmem_shared>>)
    %barrier3A_144 = arith.constant 0 : index
    tpu.barrier barrier_id(%barrier3A_144)
    %mul3A_145 = arith.constant 640 : i32
    %mul3A_146 = arith.muli %arg1, %mul3A_145 : i32
    %mul3A_147 = arith.constant 640 : i32
    %mul3A_148 = arith.muli %arg1, %mul3A_147 : i32
    "tpu.region"() ({
      %run_scoped3A_149 = tpu.sem_alloc : memref<!tpu.dma_semaphore, #tpu.memory_space<semaphore_mem>>
      %dma_start3A_150 = arith.constant 0 : i32
      %dma_start3A_151 = tpu.memref_slice %arg5[%arg0, %mul3A_148, %dma_start3A_150] : memref<2x10240x16xf32, #tpu.memory_space<hbm>> -> memref<1x640x16xf32, #tpu.memory_space<hbm>>
      %dma_start3A_152 = tpu.memref_squeeze %dma_start3A_151 : memref<1x640x16xf32, #tpu.memory_space<hbm>> -> memref<640x16xf32, #tpu.memory_space<hbm>>
      %dma_start3A_153 = arith.constant 0 : i32
      %dma_start3A_154 = tpu.memref_slice %arg11[%mul3A_146, %dma_start3A_153] : memref<10240x16xf32, #tpu.memory_space<vmem_shared>> -> memref<640x16xf32, #tpu.memory_space<vmem_shared>>
      tpu.enqueue_dma source(%dma_start3A_154 : memref<640x16xf32, #tpu.memory_space<vmem_shared>>) target(%dma_start3A_152 : memref<640x16xf32, #tpu.memory_space<hbm>>) target_semaphore(%run_scoped3A_149 : memref<!tpu.dma_semaphore, #tpu.memory_space<semaphore_mem>>)
      %dma_wait3A_155 = arith.constant 0 : i32
      %dma_wait3A_156 = tpu.memref_slice %arg5[%arg0, %mul3A_148, %dma_wait3A_155] : memref<2x10240x16xf32, #tpu.memory_space<hbm>> -> memref<1x640x16xf32, #tpu.memory_space<hbm>>
      %dma_wait3A_157 = tpu.memref_squeeze %dma_wait3A_156 : memref<1x640x16xf32, #tpu.memory_space<hbm>> -> memref<640x16xf32, #tpu.memory_space<hbm>>
      %dma_wait3A_158 = arith.constant 0 : i32
      %dma_wait3A_159 = tpu.memref_slice %arg11[%mul3A_146, %dma_wait3A_158] : memref<10240x16xf32, #tpu.memory_space<vmem_shared>> -> memref<640x16xf32, #tpu.memory_space<vmem_shared>>
      tpu.wait_dma2 semaphore(%run_scoped3A_149 : memref<!tpu.dma_semaphore, #tpu.memory_space<semaphore_mem>>) src(%dma_wait3A_159 : memref<640x16xf32, #tpu.memory_space<vmem_shared>>) dst(%dma_wait3A_157 : memref<640x16xf32, #tpu.memory_space<hbm>>)
      tpu.yield
    }) : () -> ()
    return
  }
}

#map = affine_map<(d0, d1) -> (0, 0, 0, 0)>
#map1 = affine_map<(d0, d1) -> (0)>
#map2 = affine_map<(d0, d1) -> (0, 0)>
module attributes {stable_mosaic.version = 14 : i64} {
  func.func @_deg_pass(%arg0: i32, %arg1: i32, %arg2: memref<2x32x5x2000xi32, #tpu.memory_space<hbm>>, %arg3: memref<2000xf32, #tpu.memory_space<hbm>>, %arg4: memref<10240xf32, #tpu.memory_space<hbm>>, %arg5: memref<2x10240xf32, #tpu.memory_space<hbm>>, %arg6: memref<5x2000xi32, #tpu.memory_space<vmem>>, %arg7: memref<2000xf32, #tpu.memory_space<vmem>>, %arg8: memref<10240xf32, #tpu.memory_space<vmem_shared>>, %arg9: memref<!tpu.dma_semaphore, #tpu.memory_space<semaphore_mem>>) attributes {dimension_semantics = [#tpu.dimension_semantics<core_parallel>, #tpu.dimension_semantics<subcore_parallel>], iteration_bounds = array<i64: 2, 16>, scalar_prefetch = 0 : i64, scratch_operands = 4 : i64, tpu.core_type = #tpu.core_type<sc_vector_subcore>, window_params = [{transform_indices = #map}, {transform_indices = #map1}, {transform_indices = #map1}, {transform_indices = #map2}]} {
    %mul3A = arith.constant 16 : i32
    %mul3A_0 = arith.muli %arg0, %mul3A : i32
    %add3A = arith.addi %mul3A_0, %arg1 : i32
    %mul3A_1 = arith.constant 640 : i32
    %mul3A_2 = arith.muli %arg1, %mul3A_1 : i32
    %mul3A_3 = arith.constant 640 : i32
    %mul3A_4 = arith.muli %arg1, %mul3A_3 : i32
    "tpu.region"() ({
      %run_scoped3A_68 = tpu.sem_alloc : memref<!tpu.dma_semaphore, #tpu.memory_space<semaphore_mem>>
      %dma_start3A_69 = tpu.memref_slice %arg8[%mul3A_4] : memref<10240xf32, #tpu.memory_space<vmem_shared>> -> memref<640xf32, #tpu.memory_space<vmem_shared>>
      %dma_start3A_70 = tpu.memref_slice %arg4[%mul3A_2] : memref<10240xf32, #tpu.memory_space<hbm>> -> memref<640xf32, #tpu.memory_space<hbm>>
      tpu.enqueue_dma source(%dma_start3A_70 : memref<640xf32, #tpu.memory_space<hbm>>) target(%dma_start3A_69 : memref<640xf32, #tpu.memory_space<vmem_shared>>) target_semaphore(%run_scoped3A_68 : memref<!tpu.dma_semaphore, #tpu.memory_space<semaphore_mem>>)
      %dma_wait3A_71 = tpu.memref_slice %arg8[%mul3A_4] : memref<10240xf32, #tpu.memory_space<vmem_shared>> -> memref<640xf32, #tpu.memory_space<vmem_shared>>
      %dma_wait3A_72 = tpu.memref_slice %arg4[%mul3A_2] : memref<10240xf32, #tpu.memory_space<hbm>> -> memref<640xf32, #tpu.memory_space<hbm>>
      tpu.wait_dma2 semaphore(%run_scoped3A_68 : memref<!tpu.dma_semaphore, #tpu.memory_space<semaphore_mem>>) src(%dma_wait3A_72 : memref<640xf32, #tpu.memory_space<hbm>>) dst(%dma_wait3A_71 : memref<640xf32, #tpu.memory_space<vmem_shared>>)
      tpu.yield
    }) : () -> ()
    "tpu.region"() ({
      %run_scoped3A_68 = tpu.sem_alloc : memref<!tpu.dma_semaphore, #tpu.memory_space<semaphore_mem>>
      tpu.enqueue_dma source(%arg3 : memref<2000xf32, #tpu.memory_space<hbm>>) target(%arg7 : memref<2000xf32, #tpu.memory_space<vmem>>) target_semaphore(%run_scoped3A_68 : memref<!tpu.dma_semaphore, #tpu.memory_space<semaphore_mem>>)
      tpu.wait_dma2 semaphore(%run_scoped3A_68 : memref<!tpu.dma_semaphore, #tpu.memory_space<semaphore_mem>>) src(%arg3 : memref<2000xf32, #tpu.memory_space<hbm>>) dst(%arg7 : memref<2000xf32, #tpu.memory_space<vmem>>)
      tpu.yield
    }) : () -> ()
    %run_scoped3A = arith.constant 1 : i32
    "tpu.region"() ({
      %run_scoped3A_68 = tpu.sem_alloc : memref<!tpu.dma_semaphore, #tpu.memory_space<semaphore_mem>>
      %dma_start3A_69 = arith.constant 0 : i32
      %dma_start3A_70 = arith.constant 0 : i32
      %dma_start3A_71 = tpu.memref_slice %arg2[%run_scoped3A, %add3A, %dma_start3A_69, %dma_start3A_70] : memref<2x32x5x2000xi32, #tpu.memory_space<hbm>> -> memref<1x1x5x2000xi32, #tpu.memory_space<hbm>>
      %dma_start3A_72 = tpu.memref_squeeze %dma_start3A_71 : memref<1x1x5x2000xi32, #tpu.memory_space<hbm>> -> memref<5x2000xi32, #tpu.memory_space<hbm>>
      %dma_start3A_73 = arith.constant 0 : i32
      %dma_start3A_74 = arith.constant 0 : i32
      %dma_start3A_75 = tpu.memref_slice %arg2[%run_scoped3A, %add3A, %dma_start3A_73, %dma_start3A_74] : memref<2x32x5x2000xi32, #tpu.memory_space<hbm>> -> memref<1x1x5x2000xi32, #tpu.memory_space<hbm>>
      %dma_start3A_76 = tpu.memref_squeeze %dma_start3A_75 : memref<1x1x5x2000xi32, #tpu.memory_space<hbm>> -> memref<5x2000xi32, #tpu.memory_space<hbm>>
      tpu.enqueue_dma source(%dma_start3A_76 : memref<5x2000xi32, #tpu.memory_space<hbm>>) target(%arg6 : memref<5x2000xi32, #tpu.memory_space<vmem>>) target_semaphore(%run_scoped3A_68 : memref<!tpu.dma_semaphore, #tpu.memory_space<semaphore_mem>>)
      %dma_wait3A_77 = arith.constant 0 : i32
      %dma_wait3A_78 = arith.constant 0 : i32
      %dma_wait3A_79 = tpu.memref_slice %arg2[%run_scoped3A, %add3A, %dma_wait3A_77, %dma_wait3A_78] : memref<2x32x5x2000xi32, #tpu.memory_space<hbm>> -> memref<1x1x5x2000xi32, #tpu.memory_space<hbm>>
      %dma_wait3A_80 = tpu.memref_squeeze %dma_wait3A_79 : memref<1x1x5x2000xi32, #tpu.memory_space<hbm>> -> memref<5x2000xi32, #tpu.memory_space<hbm>>
      %dma_wait3A_81 = arith.constant 0 : i32
      %dma_wait3A_82 = arith.constant 0 : i32
      %dma_wait3A_83 = tpu.memref_slice %arg2[%run_scoped3A, %add3A, %dma_wait3A_81, %dma_wait3A_82] : memref<2x32x5x2000xi32, #tpu.memory_space<hbm>> -> memref<1x1x5x2000xi32, #tpu.memory_space<hbm>>
      %dma_wait3A_84 = tpu.memref_squeeze %dma_wait3A_83 : memref<1x1x5x2000xi32, #tpu.memory_space<hbm>> -> memref<5x2000xi32, #tpu.memory_space<hbm>>
      tpu.wait_dma2 semaphore(%run_scoped3A_68 : memref<!tpu.dma_semaphore, #tpu.memory_space<semaphore_mem>>) src(%dma_wait3A_84 : memref<5x2000xi32, #tpu.memory_space<hbm>>) dst(%arg6 : memref<5x2000xi32, #tpu.memory_space<vmem>>)
      tpu.yield
    }) : () -> ()
    %barrier3A = arith.constant 0 : index
    tpu.barrier barrier_id(%barrier3A)
    %dma_start3A = arith.constant 0 : i32
    %dma_start3A_5 = arith.constant 0 : i32
    %dma_start3A_6 = tpu.memref_slice %arg6[%dma_start3A, %dma_start3A_5] : memref<5x2000xi32, #tpu.memory_space<vmem>> -> memref<1x2000xi32, #tpu.memory_space<vmem>>
    %dma_start3A_7 = tpu.memref_squeeze %dma_start3A_6 : memref<1x2000xi32, #tpu.memory_space<vmem>> -> memref<2000xi32, #tpu.memory_space<vmem>>
    %dma_start3A_8 = arith.constant 0 : i32
    %dma_start3A_9 = tpu.memref_slice %arg8[%dma_start3A_8] : memref<10240xf32, #tpu.memory_space<vmem_shared>> -> memref<10240xf32, #tpu.memory_space<vmem_shared>>
    tpu.enqueue_indirect_dma source(%arg7 : memref<2000xf32, #tpu.memory_space<vmem>>) target(%dma_start3A_9 : memref<10240xf32, #tpu.memory_space<vmem_shared>>) offsets(%dma_start3A_7 : memref<2000xi32, #tpu.memory_space<vmem>>) semaphore(%arg9 : memref<!tpu.dma_semaphore, #tpu.memory_space<semaphore_mem>>) {add = true}
    %dma_start3A_10 = arith.constant 1 : i32
    %dma_start3A_11 = arith.constant 0 : i32
    %dma_start3A_12 = tpu.memref_slice %arg6[%dma_start3A_10, %dma_start3A_11] : memref<5x2000xi32, #tpu.memory_space<vmem>> -> memref<1x2000xi32, #tpu.memory_space<vmem>>
    %dma_start3A_13 = tpu.memref_squeeze %dma_start3A_12 : memref<1x2000xi32, #tpu.memory_space<vmem>> -> memref<2000xi32, #tpu.memory_space<vmem>>
    %dma_start3A_14 = arith.constant 0 : i32
    %dma_start3A_15 = tpu.memref_slice %arg8[%dma_start3A_14] : memref<10240xf32, #tpu.memory_space<vmem_shared>> -> memref<10240xf32, #tpu.memory_space<vmem_shared>>
    tpu.enqueue_indirect_dma source(%arg7 : memref<2000xf32, #tpu.memory_space<vmem>>) target(%dma_start3A_15 : memref<10240xf32, #tpu.memory_space<vmem_shared>>) offsets(%dma_start3A_13 : memref<2000xi32, #tpu.memory_space<vmem>>) semaphore(%arg9 : memref<!tpu.dma_semaphore, #tpu.memory_space<semaphore_mem>>) {add = true}
    %dma_start3A_16 = arith.constant 2 : i32
    %dma_start3A_17 = arith.constant 0 : i32
    %dma_start3A_18 = tpu.memref_slice %arg6[%dma_start3A_16, %dma_start3A_17] : memref<5x2000xi32, #tpu.memory_space<vmem>> -> memref<1x2000xi32, #tpu.memory_space<vmem>>
    %dma_start3A_19 = tpu.memref_squeeze %dma_start3A_18 : memref<1x2000xi32, #tpu.memory_space<vmem>> -> memref<2000xi32, #tpu.memory_space<vmem>>
    %dma_start3A_20 = arith.constant 0 : i32
    %dma_start3A_21 = tpu.memref_slice %arg8[%dma_start3A_20] : memref<10240xf32, #tpu.memory_space<vmem_shared>> -> memref<10240xf32, #tpu.memory_space<vmem_shared>>
    tpu.enqueue_indirect_dma source(%arg7 : memref<2000xf32, #tpu.memory_space<vmem>>) target(%dma_start3A_21 : memref<10240xf32, #tpu.memory_space<vmem_shared>>) offsets(%dma_start3A_19 : memref<2000xi32, #tpu.memory_space<vmem>>) semaphore(%arg9 : memref<!tpu.dma_semaphore, #tpu.memory_space<semaphore_mem>>) {add = true}
    %dma_start3A_22 = arith.constant 3 : i32
    %dma_start3A_23 = arith.constant 0 : i32
    %dma_start3A_24 = tpu.memref_slice %arg6[%dma_start3A_22, %dma_start3A_23] : memref<5x2000xi32, #tpu.memory_space<vmem>> -> memref<1x2000xi32, #tpu.memory_space<vmem>>
    %dma_start3A_25 = tpu.memref_squeeze %dma_start3A_24 : memref<1x2000xi32, #tpu.memory_space<vmem>> -> memref<2000xi32, #tpu.memory_space<vmem>>
    %dma_start3A_26 = arith.constant 0 : i32
    %dma_start3A_27 = tpu.memref_slice %arg8[%dma_start3A_26] : memref<10240xf32, #tpu.memory_space<vmem_shared>> -> memref<10240xf32, #tpu.memory_space<vmem_shared>>
    tpu.enqueue_indirect_dma source(%arg7 : memref<2000xf32, #tpu.memory_space<vmem>>) target(%dma_start3A_27 : memref<10240xf32, #tpu.memory_space<vmem_shared>>) offsets(%dma_start3A_25 : memref<2000xi32, #tpu.memory_space<vmem>>) semaphore(%arg9 : memref<!tpu.dma_semaphore, #tpu.memory_space<semaphore_mem>>) {add = true}
    %dma_start3A_28 = arith.constant 4 : i32
    %dma_start3A_29 = arith.constant 0 : i32
    %dma_start3A_30 = tpu.memref_slice %arg6[%dma_start3A_28, %dma_start3A_29] : memref<5x2000xi32, #tpu.memory_space<vmem>> -> memref<1x2000xi32, #tpu.memory_space<vmem>>
    %dma_start3A_31 = tpu.memref_squeeze %dma_start3A_30 : memref<1x2000xi32, #tpu.memory_space<vmem>> -> memref<2000xi32, #tpu.memory_space<vmem>>
    %dma_start3A_32 = arith.constant 0 : i32
    %dma_start3A_33 = tpu.memref_slice %arg8[%dma_start3A_32] : memref<10240xf32, #tpu.memory_space<vmem_shared>> -> memref<10240xf32, #tpu.memory_space<vmem_shared>>
    tpu.enqueue_indirect_dma source(%arg7 : memref<2000xf32, #tpu.memory_space<vmem>>) target(%dma_start3A_33 : memref<10240xf32, #tpu.memory_space<vmem_shared>>) offsets(%dma_start3A_31 : memref<2000xi32, #tpu.memory_space<vmem>>) semaphore(%arg9 : memref<!tpu.dma_semaphore, #tpu.memory_space<semaphore_mem>>) {add = true}
    %dma_wait3A = arith.constant 0 : i32
    %dma_wait3A_34 = arith.constant 0 : i32
    %dma_wait3A_35 = tpu.memref_slice %arg6[%dma_wait3A, %dma_wait3A_34] : memref<5x2000xi32, #tpu.memory_space<vmem>> -> memref<1x2000xi32, #tpu.memory_space<vmem>>
    %dma_wait3A_36 = tpu.memref_squeeze %dma_wait3A_35 : memref<1x2000xi32, #tpu.memory_space<vmem>> -> memref<2000xi32, #tpu.memory_space<vmem>>
    %dma_wait3A_37 = arith.constant 0 : i32
    %dma_wait3A_38 = tpu.memref_slice %arg8[%dma_wait3A_37] : memref<10240xf32, #tpu.memory_space<vmem_shared>> -> memref<10240xf32, #tpu.memory_space<vmem_shared>>
    tpu.wait_indirect_dma semaphore(%arg9 : memref<!tpu.dma_semaphore, #tpu.memory_space<semaphore_mem>>) src(%arg7 : memref<2000xf32, #tpu.memory_space<vmem>>) dst(%dma_wait3A_38 : memref<10240xf32, #tpu.memory_space<vmem_shared>>)
    %dma_wait3A_39 = arith.constant 1 : i32
    %dma_wait3A_40 = arith.constant 0 : i32
    %dma_wait3A_41 = tpu.memref_slice %arg6[%dma_wait3A_39, %dma_wait3A_40] : memref<5x2000xi32, #tpu.memory_space<vmem>> -> memref<1x2000xi32, #tpu.memory_space<vmem>>
    %dma_wait3A_42 = tpu.memref_squeeze %dma_wait3A_41 : memref<1x2000xi32, #tpu.memory_space<vmem>> -> memref<2000xi32, #tpu.memory_space<vmem>>
    %dma_wait3A_43 = arith.constant 0 : i32
    %dma_wait3A_44 = tpu.memref_slice %arg8[%dma_wait3A_43] : memref<10240xf32, #tpu.memory_space<vmem_shared>> -> memref<10240xf32, #tpu.memory_space<vmem_shared>>
    tpu.wait_indirect_dma semaphore(%arg9 : memref<!tpu.dma_semaphore, #tpu.memory_space<semaphore_mem>>) src(%arg7 : memref<2000xf32, #tpu.memory_space<vmem>>) dst(%dma_wait3A_44 : memref<10240xf32, #tpu.memory_space<vmem_shared>>)
    %dma_wait3A_45 = arith.constant 2 : i32
    %dma_wait3A_46 = arith.constant 0 : i32
    %dma_wait3A_47 = tpu.memref_slice %arg6[%dma_wait3A_45, %dma_wait3A_46] : memref<5x2000xi32, #tpu.memory_space<vmem>> -> memref<1x2000xi32, #tpu.memory_space<vmem>>
    %dma_wait3A_48 = tpu.memref_squeeze %dma_wait3A_47 : memref<1x2000xi32, #tpu.memory_space<vmem>> -> memref<2000xi32, #tpu.memory_space<vmem>>
    %dma_wait3A_49 = arith.constant 0 : i32
    %dma_wait3A_50 = tpu.memref_slice %arg8[%dma_wait3A_49] : memref<10240xf32, #tpu.memory_space<vmem_shared>> -> memref<10240xf32, #tpu.memory_space<vmem_shared>>
    tpu.wait_indirect_dma semaphore(%arg9 : memref<!tpu.dma_semaphore, #tpu.memory_space<semaphore_mem>>) src(%arg7 : memref<2000xf32, #tpu.memory_space<vmem>>) dst(%dma_wait3A_50 : memref<10240xf32, #tpu.memory_space<vmem_shared>>)
    %dma_wait3A_51 = arith.constant 3 : i32
    %dma_wait3A_52 = arith.constant 0 : i32
    %dma_wait3A_53 = tpu.memref_slice %arg6[%dma_wait3A_51, %dma_wait3A_52] : memref<5x2000xi32, #tpu.memory_space<vmem>> -> memref<1x2000xi32, #tpu.memory_space<vmem>>
    %dma_wait3A_54 = tpu.memref_squeeze %dma_wait3A_53 : memref<1x2000xi32, #tpu.memory_space<vmem>> -> memref<2000xi32, #tpu.memory_space<vmem>>
    %dma_wait3A_55 = arith.constant 0 : i32
    %dma_wait3A_56 = tpu.memref_slice %arg8[%dma_wait3A_55] : memref<10240xf32, #tpu.memory_space<vmem_shared>> -> memref<10240xf32, #tpu.memory_space<vmem_shared>>
    tpu.wait_indirect_dma semaphore(%arg9 : memref<!tpu.dma_semaphore, #tpu.memory_space<semaphore_mem>>) src(%arg7 : memref<2000xf32, #tpu.memory_space<vmem>>) dst(%dma_wait3A_56 : memref<10240xf32, #tpu.memory_space<vmem_shared>>)
    %dma_wait3A_57 = arith.constant 4 : i32
    %dma_wait3A_58 = arith.constant 0 : i32
    %dma_wait3A_59 = tpu.memref_slice %arg6[%dma_wait3A_57, %dma_wait3A_58] : memref<5x2000xi32, #tpu.memory_space<vmem>> -> memref<1x2000xi32, #tpu.memory_space<vmem>>
    %dma_wait3A_60 = tpu.memref_squeeze %dma_wait3A_59 : memref<1x2000xi32, #tpu.memory_space<vmem>> -> memref<2000xi32, #tpu.memory_space<vmem>>
    %dma_wait3A_61 = arith.constant 0 : i32
    %dma_wait3A_62 = tpu.memref_slice %arg8[%dma_wait3A_61] : memref<10240xf32, #tpu.memory_space<vmem_shared>> -> memref<10240xf32, #tpu.memory_space<vmem_shared>>
    tpu.wait_indirect_dma semaphore(%arg9 : memref<!tpu.dma_semaphore, #tpu.memory_space<semaphore_mem>>) src(%arg7 : memref<2000xf32, #tpu.memory_space<vmem>>) dst(%dma_wait3A_62 : memref<10240xf32, #tpu.memory_space<vmem_shared>>)
    %barrier3A_63 = arith.constant 0 : index
    tpu.barrier barrier_id(%barrier3A_63)
    %mul3A_64 = arith.constant 640 : i32
    %mul3A_65 = arith.muli %arg1, %mul3A_64 : i32
    %mul3A_66 = arith.constant 640 : i32
    %mul3A_67 = arith.muli %arg1, %mul3A_66 : i32
    "tpu.region"() ({
      %run_scoped3A_68 = tpu.sem_alloc : memref<!tpu.dma_semaphore, #tpu.memory_space<semaphore_mem>>
      %dma_start3A_69 = tpu.memref_slice %arg5[%arg0, %mul3A_67] : memref<2x10240xf32, #tpu.memory_space<hbm>> -> memref<1x640xf32, #tpu.memory_space<hbm>>
      %dma_start3A_70 = tpu.memref_squeeze %dma_start3A_69 : memref<1x640xf32, #tpu.memory_space<hbm>> -> memref<640xf32, #tpu.memory_space<hbm>>
      %dma_start3A_71 = tpu.memref_slice %arg8[%mul3A_65] : memref<10240xf32, #tpu.memory_space<vmem_shared>> -> memref<640xf32, #tpu.memory_space<vmem_shared>>
      tpu.enqueue_dma source(%dma_start3A_71 : memref<640xf32, #tpu.memory_space<vmem_shared>>) target(%dma_start3A_70 : memref<640xf32, #tpu.memory_space<hbm>>) target_semaphore(%run_scoped3A_68 : memref<!tpu.dma_semaphore, #tpu.memory_space<semaphore_mem>>)
      %dma_wait3A_72 = tpu.memref_slice %arg5[%arg0, %mul3A_67] : memref<2x10240xf32, #tpu.memory_space<hbm>> -> memref<1x640xf32, #tpu.memory_space<hbm>>
      %dma_wait3A_73 = tpu.memref_squeeze %dma_wait3A_72 : memref<1x640xf32, #tpu.memory_space<hbm>> -> memref<640xf32, #tpu.memory_space<hbm>>
      %dma_wait3A_74 = tpu.memref_slice %arg8[%mul3A_65] : memref<10240xf32, #tpu.memory_space<vmem_shared>> -> memref<640xf32, #tpu.memory_space<vmem_shared>>
      tpu.wait_dma2 semaphore(%run_scoped3A_68 : memref<!tpu.dma_semaphore, #tpu.memory_space<semaphore_mem>>) src(%dma_wait3A_74 : memref<640xf32, #tpu.memory_space<vmem_shared>>) dst(%dma_wait3A_73 : memref<640xf32, #tpu.memory_space<hbm>>)
      tpu.yield
    }) : () -> ()
    return
  }
}

#map = affine_map<(d0, d1) -> (0, 0)>
#map1 = affine_map<(d0, d1) -> (0, 0, 0, 0)>
#map2 = affine_map<(d0, d1) -> (0, 0, 0)>
module attributes {stable_mosaic.version = 14 : i64} {
  func.func @_agg_pass(%arg0: i32, %arg1: i32, %arg2: memref<10240x16xf32, #tpu.memory_space<hbm>>, %arg3: memref<2x32x5x2000xi32, #tpu.memory_space<hbm>>, %arg4: memref<10240x16xf32, #tpu.memory_space<hbm>>, %arg5: memref<2x10240x16xf32, #tpu.memory_space<hbm>>, %arg6: memref<5x2000xi32, #tpu.memory_space<vmem>>, %arg7: memref<5x2000xi32, #tpu.memory_space<vmem>>, %arg8: memref<2000x16xf32, #tpu.memory_space<vmem>>, %arg9: memref<2000x16xf32, #tpu.memory_space<vmem>>, %arg10: memref<2000x16xf32, #tpu.memory_space<vmem>>, %arg11: memref<10240x16xf32, #tpu.memory_space<vmem_shared>>, %arg12: memref<!tpu.dma_semaphore, #tpu.memory_space<semaphore_mem>>, %arg13: memref<!tpu.dma_semaphore, #tpu.memory_space<semaphore_mem>>, %arg14: memref<!tpu.dma_semaphore, #tpu.memory_space<semaphore_mem>>, %arg15: memref<!tpu.dma_semaphore, #tpu.memory_space<semaphore_mem>>, %arg16: memref<!tpu.dma_semaphore, #tpu.memory_space<semaphore_mem>>, %arg17: memref<!tpu.dma_semaphore, #tpu.memory_space<semaphore_mem>>) attributes {dimension_semantics = [#tpu.dimension_semantics<core_parallel>, #tpu.dimension_semantics<subcore_parallel>], iteration_bounds = array<i64: 2, 16>, scalar_prefetch = 0 : i64, scratch_operands = 12 : i64, tpu.core_type = #tpu.core_type<sc_vector_subcore>, window_params = [{transform_indices = #map}, {transform_indices = #map1}, {transform_indices = #map}, {transform_indices = #map2}]} {
    %mul3A = arith.constant 16 : i32
    %mul3A_0 = arith.muli %arg0, %mul3A : i32
    %add3A = arith.addi %mul3A_0, %arg1 : i32
    %mul3A_1 = arith.constant 640 : i32
    %mul3A_2 = arith.muli %arg1, %mul3A_1 : i32
    %mul3A_3 = arith.constant 640 : i32
    %mul3A_4 = arith.muli %arg1, %mul3A_3 : i32
    "tpu.region"() ({
      %run_scoped3A_149 = tpu.sem_alloc : memref<!tpu.dma_semaphore, #tpu.memory_space<semaphore_mem>>
      %dma_start3A_150 = arith.constant 0 : i32
      %dma_start3A_151 = tpu.memref_slice %arg11[%mul3A_4, %dma_start3A_150] : memref<10240x16xf32, #tpu.memory_space<vmem_shared>> -> memref<640x16xf32, #tpu.memory_space<vmem_shared>>
      %dma_start3A_152 = arith.constant 0 : i32
      %dma_start3A_153 = tpu.memref_slice %arg4[%mul3A_2, %dma_start3A_152] : memref<10240x16xf32, #tpu.memory_space<hbm>> -> memref<640x16xf32, #tpu.memory_space<hbm>>
      tpu.enqueue_dma source(%dma_start3A_153 : memref<640x16xf32, #tpu.memory_space<hbm>>) target(%dma_start3A_151 : memref<640x16xf32, #tpu.memory_space<vmem_shared>>) target_semaphore(%run_scoped3A_149 : memref<!tpu.dma_semaphore, #tpu.memory_space<semaphore_mem>>)
      %dma_wait3A_154 = arith.constant 0 : i32
      %dma_wait3A_155 = tpu.memref_slice %arg11[%mul3A_4, %dma_wait3A_154] : memref<10240x16xf32, #tpu.memory_space<vmem_shared>> -> memref<640x16xf32, #tpu.memory_space<vmem_shared>>
      %dma_wait3A_156 = arith.constant 0 : i32
      %dma_wait3A_157 = tpu.memref_slice %arg4[%mul3A_2, %dma_wait3A_156] : memref<10240x16xf32, #tpu.memory_space<hbm>> -> memref<640x16xf32, #tpu.memory_space<hbm>>
      tpu.wait_dma2 semaphore(%run_scoped3A_149 : memref<!tpu.dma_semaphore, #tpu.memory_space<semaphore_mem>>) src(%dma_wait3A_157 : memref<640x16xf32, #tpu.memory_space<hbm>>) dst(%dma_wait3A_155 : memref<640x16xf32, #tpu.memory_space<vmem_shared>>)
      tpu.yield
    }) : () -> ()
    %run_scoped3A = arith.constant 0 : i32
    "tpu.region"() ({
      %run_scoped3A_149 = tpu.sem_alloc : memref<!tpu.dma_semaphore, #tpu.memory_space<semaphore_mem>>
      %dma_start3A_150 = arith.constant 0 : i32
      %dma_start3A_151 = arith.constant 0 : i32
      %dma_start3A_152 = tpu.memref_slice %arg3[%run_scoped3A, %add3A, %dma_start3A_150, %dma_start3A_151] : memref<2x32x5x2000xi32, #tpu.memory_space<hbm>> -> memref<1x1x5x2000xi32, #tpu.memory_space<hbm>>
      %dma_start3A_153 = tpu.memref_squeeze %dma_start3A_152 : memref<1x1x5x2000xi32, #tpu.memory_space<hbm>> -> memref<5x2000xi32, #tpu.memory_space<hbm>>
      %dma_start3A_154 = arith.constant 0 : i32
      %dma_start3A_155 = arith.constant 0 : i32
      %dma_start3A_156 = tpu.memref_slice %arg3[%run_scoped3A, %add3A, %dma_start3A_154, %dma_start3A_155] : memref<2x32x5x2000xi32, #tpu.memory_space<hbm>> -> memref<1x1x5x2000xi32, #tpu.memory_space<hbm>>
      %dma_start3A_157 = tpu.memref_squeeze %dma_start3A_156 : memref<1x1x5x2000xi32, #tpu.memory_space<hbm>> -> memref<5x2000xi32, #tpu.memory_space<hbm>>
      tpu.enqueue_dma source(%dma_start3A_157 : memref<5x2000xi32, #tpu.memory_space<hbm>>) target(%arg6 : memref<5x2000xi32, #tpu.memory_space<vmem>>) target_semaphore(%run_scoped3A_149 : memref<!tpu.dma_semaphore, #tpu.memory_space<semaphore_mem>>)
      %dma_wait3A_158 = arith.constant 0 : i32
      %dma_wait3A_159 = arith.constant 0 : i32
      %dma_wait3A_160 = tpu.memref_slice %arg3[%run_scoped3A, %add3A, %dma_wait3A_158, %dma_wait3A_159] : memref<2x32x5x2000xi32, #tpu.memory_space<hbm>> -> memref<1x1x5x2000xi32, #tpu.memory_space<hbm>>
      %dma_wait3A_161 = tpu.memref_squeeze %dma_wait3A_160 : memref<1x1x5x2000xi32, #tpu.memory_space<hbm>> -> memref<5x2000xi32, #tpu.memory_space<hbm>>
      %dma_wait3A_162 = arith.constant 0 : i32
      %dma_wait3A_163 = arith.constant 0 : i32
      %dma_wait3A_164 = tpu.memref_slice %arg3[%run_scoped3A, %add3A, %dma_wait3A_162, %dma_wait3A_163] : memref<2x32x5x2000xi32, #tpu.memory_space<hbm>> -> memref<1x1x5x2000xi32, #tpu.memory_space<hbm>>
      %dma_wait3A_165 = tpu.memref_squeeze %dma_wait3A_164 : memref<1x1x5x2000xi32, #tpu.memory_space<hbm>> -> memref<5x2000xi32, #tpu.memory_space<hbm>>
      tpu.wait_dma2 semaphore(%run_scoped3A_149 : memref<!tpu.dma_semaphore, #tpu.memory_space<semaphore_mem>>) src(%dma_wait3A_165 : memref<5x2000xi32, #tpu.memory_space<hbm>>) dst(%arg6 : memref<5x2000xi32, #tpu.memory_space<vmem>>)
      tpu.yield
    }) : () -> ()
    %run_scoped3A_5 = arith.constant 1 : i32
    "tpu.region"() ({
      %run_scoped3A_149 = tpu.sem_alloc : memref<!tpu.dma_semaphore, #tpu.memory_space<semaphore_mem>>
      %dma_start3A_150 = arith.constant 0 : i32
      %dma_start3A_151 = arith.constant 0 : i32
      %dma_start3A_152 = tpu.memref_slice %arg3[%run_scoped3A_5, %add3A, %dma_start3A_150, %dma_start3A_151] : memref<2x32x5x2000xi32, #tpu.memory_space<hbm>> -> memref<1x1x5x2000xi32, #tpu.memory_space<hbm>>
      %dma_start3A_153 = tpu.memref_squeeze %dma_start3A_152 : memref<1x1x5x2000xi32, #tpu.memory_space<hbm>> -> memref<5x2000xi32, #tpu.memory_space<hbm>>
      %dma_start3A_154 = arith.constant 0 : i32
      %dma_start3A_155 = arith.constant 0 : i32
      %dma_start3A_156 = tpu.memref_slice %arg3[%run_scoped3A_5, %add3A, %dma_start3A_154, %dma_start3A_155] : memref<2x32x5x2000xi32, #tpu.memory_space<hbm>> -> memref<1x1x5x2000xi32, #tpu.memory_space<hbm>>
      %dma_start3A_157 = tpu.memref_squeeze %dma_start3A_156 : memref<1x1x5x2000xi32, #tpu.memory_space<hbm>> -> memref<5x2000xi32, #tpu.memory_space<hbm>>
      tpu.enqueue_dma source(%dma_start3A_157 : memref<5x2000xi32, #tpu.memory_space<hbm>>) target(%arg7 : memref<5x2000xi32, #tpu.memory_space<vmem>>) target_semaphore(%run_scoped3A_149 : memref<!tpu.dma_semaphore, #tpu.memory_space<semaphore_mem>>)
      %dma_wait3A_158 = arith.constant 0 : i32
      %dma_wait3A_159 = arith.constant 0 : i32
      %dma_wait3A_160 = tpu.memref_slice %arg3[%run_scoped3A_5, %add3A, %dma_wait3A_158, %dma_wait3A_159] : memref<2x32x5x2000xi32, #tpu.memory_space<hbm>> -> memref<1x1x5x2000xi32, #tpu.memory_space<hbm>>
      %dma_wait3A_161 = tpu.memref_squeeze %dma_wait3A_160 : memref<1x1x5x2000xi32, #tpu.memory_space<hbm>> -> memref<5x2000xi32, #tpu.memory_space<hbm>>
      %dma_wait3A_162 = arith.constant 0 : i32
      %dma_wait3A_163 = arith.constant 0 : i32
      %dma_wait3A_164 = tpu.memref_slice %arg3[%run_scoped3A_5, %add3A, %dma_wait3A_162, %dma_wait3A_163] : memref<2x32x5x2000xi32, #tpu.memory_space<hbm>> -> memref<1x1x5x2000xi32, #tpu.memory_space<hbm>>
      %dma_wait3A_165 = tpu.memref_squeeze %dma_wait3A_164 : memref<1x1x5x2000xi32, #tpu.memory_space<hbm>> -> memref<5x2000xi32, #tpu.memory_space<hbm>>
      tpu.wait_dma2 semaphore(%run_scoped3A_149 : memref<!tpu.dma_semaphore, #tpu.memory_space<semaphore_mem>>) src(%dma_wait3A_165 : memref<5x2000xi32, #tpu.memory_space<hbm>>) dst(%arg7 : memref<5x2000xi32, #tpu.memory_space<vmem>>)
      tpu.yield
    }) : () -> ()
    %barrier3A = arith.constant 0 : index
    tpu.barrier barrier_id(%barrier3A)
    %dma_start3A = arith.constant 0 : i32
    %dma_start3A_6 = arith.constant 0 : i32
    %dma_start3A_7 = tpu.memref_slice %arg6[%dma_start3A, %dma_start3A_6] : memref<5x2000xi32, #tpu.memory_space<vmem>> -> memref<1x2000xi32, #tpu.memory_space<vmem>>
    %dma_start3A_8 = tpu.memref_squeeze %dma_start3A_7 : memref<1x2000xi32, #tpu.memory_space<vmem>> -> memref<2000xi32, #tpu.memory_space<vmem>>
    %dma_start3A_9 = arith.constant 0 : i32
    %dma_start3A_10 = arith.constant 0 : i32
    %dma_start3A_11 = tpu.memref_slice %arg2[%dma_start3A_9, %dma_start3A_10] : memref<10240x16xf32, #tpu.memory_space<hbm>> -> memref<10240x16xf32, #tpu.memory_space<hbm>>
    tpu.enqueue_indirect_dma source(%dma_start3A_11 : memref<10240x16xf32, #tpu.memory_space<hbm>>) target(%arg8 : memref<2000x16xf32, #tpu.memory_space<vmem>>) offsets(%dma_start3A_8 : memref<2000xi32, #tpu.memory_space<vmem>>) semaphore(%arg12 : memref<!tpu.dma_semaphore, #tpu.memory_space<semaphore_mem>>)
    %dma_start3A_12 = arith.constant 1 : i32
    %dma_start3A_13 = arith.constant 0 : i32
    %dma_start3A_14 = tpu.memref_slice %arg6[%dma_start3A_12, %dma_start3A_13] : memref<5x2000xi32, #tpu.memory_space<vmem>> -> memref<1x2000xi32, #tpu.memory_space<vmem>>
    %dma_start3A_15 = tpu.memref_squeeze %dma_start3A_14 : memref<1x2000xi32, #tpu.memory_space<vmem>> -> memref<2000xi32, #tpu.memory_space<vmem>>
    %dma_start3A_16 = arith.constant 0 : i32
    %dma_start3A_17 = arith.constant 0 : i32
    %dma_start3A_18 = tpu.memref_slice %arg2[%dma_start3A_16, %dma_start3A_17] : memref<10240x16xf32, #tpu.memory_space<hbm>> -> memref<10240x16xf32, #tpu.memory_space<hbm>>
    tpu.enqueue_indirect_dma source(%dma_start3A_18 : memref<10240x16xf32, #tpu.memory_space<hbm>>) target(%arg9 : memref<2000x16xf32, #tpu.memory_space<vmem>>) offsets(%dma_start3A_15 : memref<2000xi32, #tpu.memory_space<vmem>>) semaphore(%arg13 : memref<!tpu.dma_semaphore, #tpu.memory_space<semaphore_mem>>)
    %dma_wait3A = arith.constant 0 : i32
    %dma_wait3A_19 = arith.constant 0 : i32
    %dma_wait3A_20 = tpu.memref_slice %arg6[%dma_wait3A, %dma_wait3A_19] : memref<5x2000xi32, #tpu.memory_space<vmem>> -> memref<1x2000xi32, #tpu.memory_space<vmem>>
    %dma_wait3A_21 = tpu.memref_squeeze %dma_wait3A_20 : memref<1x2000xi32, #tpu.memory_space<vmem>> -> memref<2000xi32, #tpu.memory_space<vmem>>
    %dma_wait3A_22 = arith.constant 0 : i32
    %dma_wait3A_23 = arith.constant 0 : i32
    %dma_wait3A_24 = tpu.memref_slice %arg2[%dma_wait3A_22, %dma_wait3A_23] : memref<10240x16xf32, #tpu.memory_space<hbm>> -> memref<10240x16xf32, #tpu.memory_space<hbm>>
    tpu.wait_indirect_dma semaphore(%arg12 : memref<!tpu.dma_semaphore, #tpu.memory_space<semaphore_mem>>) src(%dma_wait3A_24 : memref<10240x16xf32, #tpu.memory_space<hbm>>) dst(%arg8 : memref<2000x16xf32, #tpu.memory_space<vmem>>)
    %dma_start3A_25 = arith.constant 0 : i32
    %dma_start3A_26 = arith.constant 0 : i32
    %dma_start3A_27 = tpu.memref_slice %arg7[%dma_start3A_25, %dma_start3A_26] : memref<5x2000xi32, #tpu.memory_space<vmem>> -> memref<1x2000xi32, #tpu.memory_space<vmem>>
    %dma_start3A_28 = tpu.memref_squeeze %dma_start3A_27 : memref<1x2000xi32, #tpu.memory_space<vmem>> -> memref<2000xi32, #tpu.memory_space<vmem>>
    %dma_start3A_29 = arith.constant 0 : i32
    %dma_start3A_30 = arith.constant 0 : i32
    %dma_start3A_31 = tpu.memref_slice %arg11[%dma_start3A_29, %dma_start3A_30] : memref<10240x16xf32, #tpu.memory_space<vmem_shared>> -> memref<10240x16xf32, #tpu.memory_space<vmem_shared>>
    tpu.enqueue_indirect_dma source(%arg8 : memref<2000x16xf32, #tpu.memory_space<vmem>>) target(%dma_start3A_31 : memref<10240x16xf32, #tpu.memory_space<vmem_shared>>) offsets(%dma_start3A_28 : memref<2000xi32, #tpu.memory_space<vmem>>) semaphore(%arg15 : memref<!tpu.dma_semaphore, #tpu.memory_space<semaphore_mem>>) {add = true}
    %dma_start3A_32 = arith.constant 2 : i32
    %dma_start3A_33 = arith.constant 0 : i32
    %dma_start3A_34 = tpu.memref_slice %arg6[%dma_start3A_32, %dma_start3A_33] : memref<5x2000xi32, #tpu.memory_space<vmem>> -> memref<1x2000xi32, #tpu.memory_space<vmem>>
    %dma_start3A_35 = tpu.memref_squeeze %dma_start3A_34 : memref<1x2000xi32, #tpu.memory_space<vmem>> -> memref<2000xi32, #tpu.memory_space<vmem>>
    %dma_start3A_36 = arith.constant 0 : i32
    %dma_start3A_37 = arith.constant 0 : i32
    %dma_start3A_38 = tpu.memref_slice %arg2[%dma_start3A_36, %dma_start3A_37] : memref<10240x16xf32, #tpu.memory_space<hbm>> -> memref<10240x16xf32, #tpu.memory_space<hbm>>
    tpu.enqueue_indirect_dma source(%dma_start3A_38 : memref<10240x16xf32, #tpu.memory_space<hbm>>) target(%arg10 : memref<2000x16xf32, #tpu.memory_space<vmem>>) offsets(%dma_start3A_35 : memref<2000xi32, #tpu.memory_space<vmem>>) semaphore(%arg14 : memref<!tpu.dma_semaphore, #tpu.memory_space<semaphore_mem>>)
    %dma_wait3A_39 = arith.constant 1 : i32
    %dma_wait3A_40 = arith.constant 0 : i32
    %dma_wait3A_41 = tpu.memref_slice %arg6[%dma_wait3A_39, %dma_wait3A_40] : memref<5x2000xi32, #tpu.memory_space<vmem>> -> memref<1x2000xi32, #tpu.memory_space<vmem>>
    %dma_wait3A_42 = tpu.memref_squeeze %dma_wait3A_41 : memref<1x2000xi32, #tpu.memory_space<vmem>> -> memref<2000xi32, #tpu.memory_space<vmem>>
    %dma_wait3A_43 = arith.constant 0 : i32
    %dma_wait3A_44 = arith.constant 0 : i32
    %dma_wait3A_45 = tpu.memref_slice %arg2[%dma_wait3A_43, %dma_wait3A_44] : memref<10240x16xf32, #tpu.memory_space<hbm>> -> memref<10240x16xf32, #tpu.memory_space<hbm>>
    tpu.wait_indirect_dma semaphore(%arg13 : memref<!tpu.dma_semaphore, #tpu.memory_space<semaphore_mem>>) src(%dma_wait3A_45 : memref<10240x16xf32, #tpu.memory_space<hbm>>) dst(%arg9 : memref<2000x16xf32, #tpu.memory_space<vmem>>)
    %dma_start3A_46 = arith.constant 1 : i32
    %dma_start3A_47 = arith.constant 0 : i32
    %dma_start3A_48 = tpu.memref_slice %arg7[%dma_start3A_46, %dma_start3A_47] : memref<5x2000xi32, #tpu.memory_space<vmem>> -> memref<1x2000xi32, #tpu.memory_space<vmem>>
    %dma_start3A_49 = tpu.memref_squeeze %dma_start3A_48 : memref<1x2000xi32, #tpu.memory_space<vmem>> -> memref<2000xi32, #tpu.memory_space<vmem>>
    %dma_start3A_50 = arith.constant 0 : i32
    %dma_start3A_51 = arith.constant 0 : i32
    %dma_start3A_52 = tpu.memref_slice %arg11[%dma_start3A_50, %dma_start3A_51] : memref<10240x16xf32, #tpu.memory_space<vmem_shared>> -> memref<10240x16xf32, #tpu.memory_space<vmem_shared>>
    tpu.enqueue_indirect_dma source(%arg9 : memref<2000x16xf32, #tpu.memory_space<vmem>>) target(%dma_start3A_52 : memref<10240x16xf32, #tpu.memory_space<vmem_shared>>) offsets(%dma_start3A_49 : memref<2000xi32, #tpu.memory_space<vmem>>) semaphore(%arg16 : memref<!tpu.dma_semaphore, #tpu.memory_space<semaphore_mem>>) {add = true}
    %dma_wait3A_53 = arith.constant 0 : i32
    %dma_wait3A_54 = arith.constant 0 : i32
    %dma_wait3A_55 = tpu.memref_slice %arg7[%dma_wait3A_53, %dma_wait3A_54] : memref<5x2000xi32, #tpu.memory_space<vmem>> -> memref<1x2000xi32, #tpu.memory_space<vmem>>
    %dma_wait3A_56 = tpu.memref_squeeze %dma_wait3A_55 : memref<1x2000xi32, #tpu.memory_space<vmem>> -> memref<2000xi32, #tpu.memory_space<vmem>>
    %dma_wait3A_57 = arith.constant 0 : i32
    %dma_wait3A_58 = arith.constant 0 : i32
    %dma_wait3A_59 = tpu.memref_slice %arg11[%dma_wait3A_57, %dma_wait3A_58] : memref<10240x16xf32, #tpu.memory_space<vmem_shared>> -> memref<10240x16xf32, #tpu.memory_space<vmem_shared>>
    tpu.wait_indirect_dma semaphore(%arg15 : memref<!tpu.dma_semaphore, #tpu.memory_space<semaphore_mem>>) src(%arg8 : memref<2000x16xf32, #tpu.memory_space<vmem>>) dst(%dma_wait3A_59 : memref<10240x16xf32, #tpu.memory_space<vmem_shared>>)
    %dma_start3A_60 = arith.constant 3 : i32
    %dma_start3A_61 = arith.constant 0 : i32
    %dma_start3A_62 = tpu.memref_slice %arg6[%dma_start3A_60, %dma_start3A_61] : memref<5x2000xi32, #tpu.memory_space<vmem>> -> memref<1x2000xi32, #tpu.memory_space<vmem>>
    %dma_start3A_63 = tpu.memref_squeeze %dma_start3A_62 : memref<1x2000xi32, #tpu.memory_space<vmem>> -> memref<2000xi32, #tpu.memory_space<vmem>>
    %dma_start3A_64 = arith.constant 0 : i32
    %dma_start3A_65 = arith.constant 0 : i32
    %dma_start3A_66 = tpu.memref_slice %arg2[%dma_start3A_64, %dma_start3A_65] : memref<10240x16xf32, #tpu.memory_space<hbm>> -> memref<10240x16xf32, #tpu.memory_space<hbm>>
    tpu.enqueue_indirect_dma source(%dma_start3A_66 : memref<10240x16xf32, #tpu.memory_space<hbm>>) target(%arg8 : memref<2000x16xf32, #tpu.memory_space<vmem>>) offsets(%dma_start3A_63 : memref<2000xi32, #tpu.memory_space<vmem>>) semaphore(%arg12 : memref<!tpu.dma_semaphore, #tpu.memory_space<semaphore_mem>>)
    %dma_wait3A_67 = arith.constant 2 : i32
    %dma_wait3A_68 = arith.constant 0 : i32
    %dma_wait3A_69 = tpu.memref_slice %arg6[%dma_wait3A_67, %dma_wait3A_68] : memref<5x2000xi32, #tpu.memory_space<vmem>> -> memref<1x2000xi32, #tpu.memory_space<vmem>>
    %dma_wait3A_70 = tpu.memref_squeeze %dma_wait3A_69 : memref<1x2000xi32, #tpu.memory_space<vmem>> -> memref<2000xi32, #tpu.memory_space<vmem>>
    %dma_wait3A_71 = arith.constant 0 : i32
    %dma_wait3A_72 = arith.constant 0 : i32
    %dma_wait3A_73 = tpu.memref_slice %arg2[%dma_wait3A_71, %dma_wait3A_72] : memref<10240x16xf32, #tpu.memory_space<hbm>> -> memref<10240x16xf32, #tpu.memory_space<hbm>>
    tpu.wait_indirect_dma semaphore(%arg14 : memref<!tpu.dma_semaphore, #tpu.memory_space<semaphore_mem>>) src(%dma_wait3A_73 : memref<10240x16xf32, #tpu.memory_space<hbm>>) dst(%arg10 : memref<2000x16xf32, #tpu.memory_space<vmem>>)
    %dma_start3A_74 = arith.constant 2 : i32
    %dma_start3A_75 = arith.constant 0 : i32
    %dma_start3A_76 = tpu.memref_slice %arg7[%dma_start3A_74, %dma_start3A_75] : memref<5x2000xi32, #tpu.memory_space<vmem>> -> memref<1x2000xi32, #tpu.memory_space<vmem>>
    %dma_start3A_77 = tpu.memref_squeeze %dma_start3A_76 : memref<1x2000xi32, #tpu.memory_space<vmem>> -> memref<2000xi32, #tpu.memory_space<vmem>>
    %dma_start3A_78 = arith.constant 0 : i32
    %dma_start3A_79 = arith.constant 0 : i32
    %dma_start3A_80 = tpu.memref_slice %arg11[%dma_start3A_78, %dma_start3A_79] : memref<10240x16xf32, #tpu.memory_space<vmem_shared>> -> memref<10240x16xf32, #tpu.memory_space<vmem_shared>>
    tpu.enqueue_indirect_dma source(%arg10 : memref<2000x16xf32, #tpu.memory_space<vmem>>) target(%dma_start3A_80 : memref<10240x16xf32, #tpu.memory_space<vmem_shared>>) offsets(%dma_start3A_77 : memref<2000xi32, #tpu.memory_space<vmem>>) semaphore(%arg17 : memref<!tpu.dma_semaphore, #tpu.memory_space<semaphore_mem>>) {add = true}
    %dma_wait3A_81 = arith.constant 1 : i32
    %dma_wait3A_82 = arith.constant 0 : i32
    %dma_wait3A_83 = tpu.memref_slice %arg7[%dma_wait3A_81, %dma_wait3A_82] : memref<5x2000xi32, #tpu.memory_space<vmem>> -> memref<1x2000xi32, #tpu.memory_space<vmem>>
    %dma_wait3A_84 = tpu.memref_squeeze %dma_wait3A_83 : memref<1x2000xi32, #tpu.memory_space<vmem>> -> memref<2000xi32, #tpu.memory_space<vmem>>
    %dma_wait3A_85 = arith.constant 0 : i32
    %dma_wait3A_86 = arith.constant 0 : i32
    %dma_wait3A_87 = tpu.memref_slice %arg11[%dma_wait3A_85, %dma_wait3A_86] : memref<10240x16xf32, #tpu.memory_space<vmem_shared>> -> memref<10240x16xf32, #tpu.memory_space<vmem_shared>>
    tpu.wait_indirect_dma semaphore(%arg16 : memref<!tpu.dma_semaphore, #tpu.memory_space<semaphore_mem>>) src(%arg9 : memref<2000x16xf32, #tpu.memory_space<vmem>>) dst(%dma_wait3A_87 : memref<10240x16xf32, #tpu.memory_space<vmem_shared>>)
    %dma_start3A_88 = arith.constant 4 : i32
    %dma_start3A_89 = arith.constant 0 : i32
    %dma_start3A_90 = tpu.memref_slice %arg6[%dma_start3A_88, %dma_start3A_89] : memref<5x2000xi32, #tpu.memory_space<vmem>> -> memref<1x2000xi32, #tpu.memory_space<vmem>>
    %dma_start3A_91 = tpu.memref_squeeze %dma_start3A_90 : memref<1x2000xi32, #tpu.memory_space<vmem>> -> memref<2000xi32, #tpu.memory_space<vmem>>
    %dma_start3A_92 = arith.constant 0 : i32
    %dma_start3A_93 = arith.constant 0 : i32
    %dma_start3A_94 = tpu.memref_slice %arg2[%dma_start3A_92, %dma_start3A_93] : memref<10240x16xf32, #tpu.memory_space<hbm>> -> memref<10240x16xf32, #tpu.memory_space<hbm>>
    tpu.enqueue_indirect_dma source(%dma_start3A_94 : memref<10240x16xf32, #tpu.memory_space<hbm>>) target(%arg9 : memref<2000x16xf32, #tpu.memory_space<vmem>>) offsets(%dma_start3A_91 : memref<2000xi32, #tpu.memory_space<vmem>>) semaphore(%arg13 : memref<!tpu.dma_semaphore, #tpu.memory_space<semaphore_mem>>)
    %dma_wait3A_95 = arith.constant 3 : i32
    %dma_wait3A_96 = arith.constant 0 : i32
    %dma_wait3A_97 = tpu.memref_slice %arg6[%dma_wait3A_95, %dma_wait3A_96] : memref<5x2000xi32, #tpu.memory_space<vmem>> -> memref<1x2000xi32, #tpu.memory_space<vmem>>
    %dma_wait3A_98 = tpu.memref_squeeze %dma_wait3A_97 : memref<1x2000xi32, #tpu.memory_space<vmem>> -> memref<2000xi32, #tpu.memory_space<vmem>>
    %dma_wait3A_99 = arith.constant 0 : i32
    %dma_wait3A_100 = arith.constant 0 : i32
    %dma_wait3A_101 = tpu.memref_slice %arg2[%dma_wait3A_99, %dma_wait3A_100] : memref<10240x16xf32, #tpu.memory_space<hbm>> -> memref<10240x16xf32, #tpu.memory_space<hbm>>
    tpu.wait_indirect_dma semaphore(%arg12 : memref<!tpu.dma_semaphore, #tpu.memory_space<semaphore_mem>>) src(%dma_wait3A_101 : memref<10240x16xf32, #tpu.memory_space<hbm>>) dst(%arg8 : memref<2000x16xf32, #tpu.memory_space<vmem>>)
    %dma_start3A_102 = arith.constant 3 : i32
    %dma_start3A_103 = arith.constant 0 : i32
    %dma_start3A_104 = tpu.memref_slice %arg7[%dma_start3A_102, %dma_start3A_103] : memref<5x2000xi32, #tpu.memory_space<vmem>> -> memref<1x2000xi32, #tpu.memory_space<vmem>>
    %dma_start3A_105 = tpu.memref_squeeze %dma_start3A_104 : memref<1x2000xi32, #tpu.memory_space<vmem>> -> memref<2000xi32, #tpu.memory_space<vmem>>
    %dma_start3A_106 = arith.constant 0 : i32
    %dma_start3A_107 = arith.constant 0 : i32
    %dma_start3A_108 = tpu.memref_slice %arg11[%dma_start3A_106, %dma_start3A_107] : memref<10240x16xf32, #tpu.memory_space<vmem_shared>> -> memref<10240x16xf32, #tpu.memory_space<vmem_shared>>
    tpu.enqueue_indirect_dma source(%arg8 : memref<2000x16xf32, #tpu.memory_space<vmem>>) target(%dma_start3A_108 : memref<10240x16xf32, #tpu.memory_space<vmem_shared>>) offsets(%dma_start3A_105 : memref<2000xi32, #tpu.memory_space<vmem>>) semaphore(%arg15 : memref<!tpu.dma_semaphore, #tpu.memory_space<semaphore_mem>>) {add = true}
    %dma_wait3A_109 = arith.constant 4 : i32
    %dma_wait3A_110 = arith.constant 0 : i32
    %dma_wait3A_111 = tpu.memref_slice %arg6[%dma_wait3A_109, %dma_wait3A_110] : memref<5x2000xi32, #tpu.memory_space<vmem>> -> memref<1x2000xi32, #tpu.memory_space<vmem>>
    %dma_wait3A_112 = tpu.memref_squeeze %dma_wait3A_111 : memref<1x2000xi32, #tpu.memory_space<vmem>> -> memref<2000xi32, #tpu.memory_space<vmem>>
    %dma_wait3A_113 = arith.constant 0 : i32
    %dma_wait3A_114 = arith.constant 0 : i32
    %dma_wait3A_115 = tpu.memref_slice %arg2[%dma_wait3A_113, %dma_wait3A_114] : memref<10240x16xf32, #tpu.memory_space<hbm>> -> memref<10240x16xf32, #tpu.memory_space<hbm>>
    tpu.wait_indirect_dma semaphore(%arg13 : memref<!tpu.dma_semaphore, #tpu.memory_space<semaphore_mem>>) src(%dma_wait3A_115 : memref<10240x16xf32, #tpu.memory_space<hbm>>) dst(%arg9 : memref<2000x16xf32, #tpu.memory_space<vmem>>)
    %dma_start3A_116 = arith.constant 4 : i32
    %dma_start3A_117 = arith.constant 0 : i32
    %dma_start3A_118 = tpu.memref_slice %arg7[%dma_start3A_116, %dma_start3A_117] : memref<5x2000xi32, #tpu.memory_space<vmem>> -> memref<1x2000xi32, #tpu.memory_space<vmem>>
    %dma_start3A_119 = tpu.memref_squeeze %dma_start3A_118 : memref<1x2000xi32, #tpu.memory_space<vmem>> -> memref<2000xi32, #tpu.memory_space<vmem>>
    %dma_start3A_120 = arith.constant 0 : i32
    %dma_start3A_121 = arith.constant 0 : i32
    %dma_start3A_122 = tpu.memref_slice %arg11[%dma_start3A_120, %dma_start3A_121] : memref<10240x16xf32, #tpu.memory_space<vmem_shared>> -> memref<10240x16xf32, #tpu.memory_space<vmem_shared>>
    tpu.enqueue_indirect_dma source(%arg9 : memref<2000x16xf32, #tpu.memory_space<vmem>>) target(%dma_start3A_122 : memref<10240x16xf32, #tpu.memory_space<vmem_shared>>) offsets(%dma_start3A_119 : memref<2000xi32, #tpu.memory_space<vmem>>) semaphore(%arg16 : memref<!tpu.dma_semaphore, #tpu.memory_space<semaphore_mem>>) {add = true}
    %dma_wait3A_123 = arith.constant 2 : i32
    %dma_wait3A_124 = arith.constant 0 : i32
    %dma_wait3A_125 = tpu.memref_slice %arg7[%dma_wait3A_123, %dma_wait3A_124] : memref<5x2000xi32, #tpu.memory_space<vmem>> -> memref<1x2000xi32, #tpu.memory_space<vmem>>
    %dma_wait3A_126 = tpu.memref_squeeze %dma_wait3A_125 : memref<1x2000xi32, #tpu.memory_space<vmem>> -> memref<2000xi32, #tpu.memory_space<vmem>>
    %dma_wait3A_127 = arith.constant 0 : i32
    %dma_wait3A_128 = arith.constant 0 : i32
    %dma_wait3A_129 = tpu.memref_slice %arg11[%dma_wait3A_127, %dma_wait3A_128] : memref<10240x16xf32, #tpu.memory_space<vmem_shared>> -> memref<10240x16xf32, #tpu.memory_space<vmem_shared>>
    tpu.wait_indirect_dma semaphore(%arg17 : memref<!tpu.dma_semaphore, #tpu.memory_space<semaphore_mem>>) src(%arg10 : memref<2000x16xf32, #tpu.memory_space<vmem>>) dst(%dma_wait3A_129 : memref<10240x16xf32, #tpu.memory_space<vmem_shared>>)
    %dma_wait3A_130 = arith.constant 3 : i32
    %dma_wait3A_131 = arith.constant 0 : i32
    %dma_wait3A_132 = tpu.memref_slice %arg7[%dma_wait3A_130, %dma_wait3A_131] : memref<5x2000xi32, #tpu.memory_space<vmem>> -> memref<1x2000xi32, #tpu.memory_space<vmem>>
    %dma_wait3A_133 = tpu.memref_squeeze %dma_wait3A_132 : memref<1x2000xi32, #tpu.memory_space<vmem>> -> memref<2000xi32, #tpu.memory_space<vmem>>
    %dma_wait3A_134 = arith.constant 0 : i32
    %dma_wait3A_135 = arith.constant 0 : i32
    %dma_wait3A_136 = tpu.memref_slice %arg11[%dma_wait3A_134, %dma_wait3A_135] : memref<10240x16xf32, #tpu.memory_space<vmem_shared>> -> memref<10240x16xf32, #tpu.memory_space<vmem_shared>>
    tpu.wait_indirect_dma semaphore(%arg15 : memref<!tpu.dma_semaphore, #tpu.memory_space<semaphore_mem>>) src(%arg8 : memref<2000x16xf32, #tpu.memory_space<vmem>>) dst(%dma_wait3A_136 : memref<10240x16xf32, #tpu.memory_space<vmem_shared>>)
    %dma_wait3A_137 = arith.constant 4 : i32
    %dma_wait3A_138 = arith.constant 0 : i32
    %dma_wait3A_139 = tpu.memref_slice %arg7[%dma_wait3A_137, %dma_wait3A_138] : memref<5x2000xi32, #tpu.memory_space<vmem>> -> memref<1x2000xi32, #tpu.memory_space<vmem>>
    %dma_wait3A_140 = tpu.memref_squeeze %dma_wait3A_139 : memref<1x2000xi32, #tpu.memory_space<vmem>> -> memref<2000xi32, #tpu.memory_space<vmem>>
    %dma_wait3A_141 = arith.constant 0 : i32
    %dma_wait3A_142 = arith.constant 0 : i32
    %dma_wait3A_143 = tpu.memref_slice %arg11[%dma_wait3A_141, %dma_wait3A_142] : memref<10240x16xf32, #tpu.memory_space<vmem_shared>> -> memref<10240x16xf32, #tpu.memory_space<vmem_shared>>
    tpu.wait_indirect_dma semaphore(%arg16 : memref<!tpu.dma_semaphore, #tpu.memory_space<semaphore_mem>>) src(%arg9 : memref<2000x16xf32, #tpu.memory_space<vmem>>) dst(%dma_wait3A_143 : memref<10240x16xf32, #tpu.memory_space<vmem_shared>>)
    %barrier3A_144 = arith.constant 0 : index
    tpu.barrier barrier_id(%barrier3A_144)
    %mul3A_145 = arith.constant 640 : i32
    %mul3A_146 = arith.muli %arg1, %mul3A_145 : i32
    %mul3A_147 = arith.constant 640 : i32
    %mul3A_148 = arith.muli %arg1, %mul3A_147 : i32
    "tpu.region"() ({
      %run_scoped3A_149 = tpu.sem_alloc : memref<!tpu.dma_semaphore, #tpu.memory_space<semaphore_mem>>
      %dma_start3A_150 = arith.constant 0 : i32
      %dma_start3A_151 = tpu.memref_slice %arg5[%arg0, %mul3A_148, %dma_start3A_150] : memref<2x10240x16xf32, #tpu.memory_space<hbm>> -> memref<1x640x16xf32, #tpu.memory_space<hbm>>
      %dma_start3A_152 = tpu.memref_squeeze %dma_start3A_151 : memref<1x640x16xf32, #tpu.memory_space<hbm>> -> memref<640x16xf32, #tpu.memory_space<hbm>>
      %dma_start3A_153 = arith.constant 0 : i32
      %dma_start3A_154 = tpu.memref_slice %arg11[%mul3A_146, %dma_start3A_153] : memref<10240x16xf32, #tpu.memory_space<vmem_shared>> -> memref<640x16xf32, #tpu.memory_space<vmem_shared>>
      tpu.enqueue_dma source(%dma_start3A_154 : memref<640x16xf32, #tpu.memory_space<vmem_shared>>) target(%dma_start3A_152 : memref<640x16xf32, #tpu.memory_space<hbm>>) target_semaphore(%run_scoped3A_149 : memref<!tpu.dma_semaphore, #tpu.memory_space<semaphore_mem>>)
      %dma_wait3A_155 = arith.constant 0 : i32
      %dma_wait3A_156 = tpu.memref_slice %arg5[%arg0, %mul3A_148, %dma_wait3A_155] : memref<2x10240x16xf32, #tpu.memory_space<hbm>> -> memref<1x640x16xf32, #tpu.memory_space<hbm>>
      %dma_wait3A_157 = tpu.memref_squeeze %dma_wait3A_156 : memref<1x640x16xf32, #tpu.memory_space<hbm>> -> memref<640x16xf32, #tpu.memory_space<hbm>>
      %dma_wait3A_158 = arith.constant 0 : i32
      %dma_wait3A_159 = tpu.memref_slice %arg11[%mul3A_146, %dma_wait3A_158] : memref<10240x16xf32, #tpu.memory_space<vmem_shared>> -> memref<640x16xf32, #tpu.memory_space<vmem_shared>>
      tpu.wait_dma2 semaphore(%run_scoped3A_149 : memref<!tpu.dma_semaphore, #tpu.memory_space<semaphore_mem>>) src(%dma_wait3A_159 : memref<640x16xf32, #tpu.memory_space<vmem_shared>>) dst(%dma_wait3A_157 : memref<640x16xf32, #tpu.memory_space<hbm>>)
      tpu.yield
    }) : () -> ()
    return
  }
}

module attributes {stable_mosaic.version = 14 : i64} {
  func.func @_scale_body(%arg0: memref<10000x128xf32, #tpu.memory_space<vmem>>, %arg1: memref<128x16xf32, #tpu.memory_space<vmem>>, %arg2: memref<2x10240xf32, #tpu.memory_space<vmem>>, %arg3: memref<10240x16xf32, #tpu.memory_space<vmem>>, %arg4: memref<10240x1xf32, #tpu.memory_space<vmem>>) attributes {dimension_semantics = [], scalar_prefetch = 0 : i64, scratch_operands = 0 : i64, tpu.core_type = #tpu.core_type<tc>} {
    %get3A = arith.constant 0 : index
    %get3A_0 = arith.constant 0 : index
    %get3A_1 = vector.load %arg2[%get3A, %get3A_0] : memref<2x10240xf32, #tpu.memory_space<vmem>>, vector<1x10240xf32>
    %get3A_2 = vector.shape_cast %get3A_1 : vector<1x10240xf32> to vector<10240xf32>
    %get3A_3 = arith.constant 1 : index
    %get3A_4 = arith.constant 0 : index
    %get3A_5 = vector.load %arg2[%get3A_3, %get3A_4] : memref<2x10240xf32, #tpu.memory_space<vmem>>, vector<1x10240xf32>
    %get3A_6 = vector.shape_cast %get3A_5 : vector<1x10240xf32> to vector<10240xf32>
    %add3A = arith.addf %get3A_2, %get3A_6 : vector<10240xf32>
    %add3A_7 = arith.constant 1.000000e+00 : f32
    %add3A_8 = vector.broadcast %add3A_7 : f32 to vector<10240xf32>
    %add3A_9 = arith.addf %add3A, %add3A_8 : vector<10240xf32>
    %rsqrt3A = math.rsqrt %add3A_9 : vector<10240xf32>
    %reshape3A = vector.shape_cast %rsqrt3A : vector<10240xf32> to vector<10240x1xf32>
    %swap3A = arith.constant 0 : index
    %swap3A_10 = arith.constant 0 : index
    %swap3A_11 = vector.load %arg4[%swap3A, %swap3A_10] : memref<10240x1xf32, #tpu.memory_space<vmem>>, vector<10240x1xf32>
    tpu.vector_store %arg4[%swap3A, %swap3A_10], %reshape3A {strides = array<i32>} : memref<10240x1xf32, #tpu.memory_space<vmem>>, vector<10240x1xf32>,
    %get3A_12 = arith.constant 0 : index
    %get3A_13 = arith.constant 0 : index
    %get3A_14 = vector.load %arg0[%get3A_12, %get3A_13] : memref<10000x128xf32, #tpu.memory_space<vmem>>, vector<10000x128xf32>
    %get3A_15 = arith.constant 0 : index
    %get3A_16 = arith.constant 0 : index
    %get3A_17 = vector.load %arg1[%get3A_15, %get3A_16] : memref<128x16xf32, #tpu.memory_space<vmem>>, vector<128x16xf32>
    %dot_general3A = arith.constant dense<0.000000e+00> : vector<10000x16xf32>
    %dot_general3A_18 = tpu.matmul %get3A_14, %get3A_17, %dot_general3A {dimension_numbers = #tpu.dot_dimension_numbers<[1], [0], [0], [1], [0, 0, 1, 1], [], []>, transpose_lhs_hint = false} : vector<10000x128xf32>, vector<128x16xf32>, vector<10000x16xf32> -> vector<10000x16xf32>
    %slice3A = vector.extract_strided_slice %reshape3A {offsets = [0, 0], sizes = [10000, 1], strides = [1, 1]} : vector<10240x1xf32> to vector<10000x1xf32>
    %mul3A = vector.broadcast %slice3A : vector<10000x1xf32> to vector<10000x16xf32>
    %mul3A_19 = arith.mulf %dot_general3A_18, %mul3A : vector<10000x16xf32>
    %swap3A_20 = arith.constant 0 : index
    %swap3A_21 = arith.constant 0 : index
    %swap3A_22 = vector.load %arg3[%swap3A_20, %swap3A_21] : memref<10240x16xf32, #tpu.memory_space<vmem>>, vector<10000x16xf32>
    tpu.vector_store %arg3[%swap3A_20, %swap3A_21], %mul3A_19 {strides = array<i32>} : memref<10240x16xf32, #tpu.memory_space<vmem>>, vector<10000x16xf32>,
    %broadcast_in_dim3A = arith.constant 0.000000e+00 : f32
    %broadcast_in_dim3A_23 = vector.broadcast %broadcast_in_dim3A : f32 to vector<240x16xf32>
    %swap3A_24 = arith.constant 10000 : index
    %swap3A_25 = arith.constant 0 : index
    %swap3A_26 = vector.load %arg3[%swap3A_24, %swap3A_25] : memref<10240x16xf32, #tpu.memory_space<vmem>>, vector<240x16xf32>
    tpu.vector_store %arg3[%swap3A_24, %swap3A_25], %broadcast_in_dim3A_23 {strides = array<i32>} : memref<10240x16xf32, #tpu.memory_space<vmem>>, vector<240x16xf32>,
    return
  }
}

module attributes {stable_mosaic.version = 14 : i64} {
  func.func @_layer1_body(%arg0: memref<2x10240x16xf32, #tpu.memory_space<vmem>>, %arg1: memref<10240x16xf32, #tpu.memory_space<vmem>>, %arg2: memref<10240x1xf32, #tpu.memory_space<vmem>>, %arg3: memref<1x16xf32, #tpu.memory_space<vmem>>, %arg4: memref<10240x16xf32, #tpu.memory_space<vmem>>) attributes {dimension_semantics = [], scalar_prefetch = 0 : i64, scratch_operands = 0 : i64, tpu.core_type = #tpu.core_type<tc>} {
    %get3A = arith.constant 0 : index
    %get3A_0 = arith.constant 0 : index
    %get3A_1 = vector.load %arg2[%get3A, %get3A_0] : memref<10240x1xf32, #tpu.memory_space<vmem>>, vector<10240x1xf32>
    %get3A_2 = arith.constant 0 : index
    %get3A_3 = arith.constant 0 : index
    %get3A_4 = vector.load %arg1[%get3A_2, %get3A_3] : memref<10240x16xf32, #tpu.memory_space<vmem>>, vector<10240x16xf32>
    %get3A_5 = arith.constant 0 : index
    %get3A_6 = arith.constant 0 : index
    %get3A_7 = arith.constant 0 : index
    %get3A_8 = vector.load %arg0[%get3A_5, %get3A_6, %get3A_7] : memref<2x10240x16xf32, #tpu.memory_space<vmem>>, vector<1x10240x16xf32>
    %get3A_9 = vector.shape_cast %get3A_8 : vector<1x10240x16xf32> to vector<10240x16xf32>
    %get3A_10 = arith.constant 1 : index
    %get3A_11 = arith.constant 0 : index
    %get3A_12 = arith.constant 0 : index
    %get3A_13 = vector.load %arg0[%get3A_10, %get3A_11, %get3A_12] : memref<2x10240x16xf32, #tpu.memory_space<vmem>>, vector<1x10240x16xf32>
    %get3A_14 = vector.shape_cast %get3A_13 : vector<1x10240x16xf32> to vector<10240x16xf32>
    %add3A = arith.addf %get3A_9, %get3A_14 : vector<10240x16xf32>
    %add3A_15 = arith.addf %add3A, %get3A_4 : vector<10240x16xf32>
    %mul3A = vector.broadcast %get3A_1 : vector<10240x1xf32> to vector<10240x16xf32>
    %mul3A_16 = arith.mulf %add3A_15, %mul3A : vector<10240x16xf32>
    %get3A_17 = arith.constant 0 : index
    %get3A_18 = arith.constant 0 : index
    %get3A_19 = vector.load %arg3[%get3A_17, %get3A_18] : memref<1x16xf32, #tpu.memory_space<vmem>>, vector<1x16xf32>
    %add3A_20 = vector.broadcast %get3A_19 : vector<1x16xf32> to vector<10240x16xf32>
    %add3A_21 = arith.addf %mul3A_16, %add3A_20 : vector<10240x16xf32>
    %max3A = arith.constant 0.000000e+00 : f32
    %max3A_22 = vector.broadcast %max3A : f32 to vector<10240x16xf32>
    %max3A_23 = arith.maximumf %add3A_21, %max3A_22 : vector<10240x16xf32>
    %mul3A_24 = vector.broadcast %get3A_1 : vector<10240x1xf32> to vector<10240x16xf32>
    %mul3A_25 = arith.mulf %max3A_23, %mul3A_24 : vector<10240x16xf32>
    %swap3A = arith.constant 0 : index
    %swap3A_26 = arith.constant 0 : index
    %swap3A_27 = vector.load %arg4[%swap3A, %swap3A_26] : memref<10240x16xf32, #tpu.memory_space<vmem>>, vector<10240x16xf32>
    tpu.vector_store %arg4[%swap3A, %swap3A_26], %mul3A_25 {strides = array<i32>} : memref<10240x16xf32, #tpu.memory_space<vmem>>, vector<10240x16xf32>,
    return
  }
}

module attributes {stable_mosaic.version = 14 : i64} {
  func.func @_layer2_body(%arg0: memref<2x10240x16xf32, #tpu.memory_space<vmem>>, %arg1: memref<10240x16xf32, #tpu.memory_space<vmem>>, %arg2: memref<10240x1xf32, #tpu.memory_space<vmem>>, %arg3: memref<16x1xf32, #tpu.memory_space<vmem>>, %arg4: memref<1x1xf32, #tpu.memory_space<vmem>>, %arg5: memref<10000x1xf32, #tpu.memory_space<vmem>>) attributes {dimension_semantics = [], scalar_prefetch = 0 : i64, scratch_operands = 0 : i64, tpu.core_type = #tpu.core_type<tc>} {
    %get3A = arith.constant 0 : index
    %get3A_0 = arith.constant 0 : index
    %get3A_1 = arith.constant 0 : index
    %get3A_2 = vector.load %arg0[%get3A, %get3A_0, %get3A_1] : memref<2x10240x16xf32, #tpu.memory_space<vmem>>, vector<1x10240x16xf32>
    %get3A_3 = vector.shape_cast %get3A_2 : vector<1x10240x16xf32> to vector<10240x16xf32>
    %slice3A = vector.extract_strided_slice %get3A_3 {offsets = [0, 0], sizes = [10000, 16], strides = [1, 1]} : vector<10240x16xf32> to vector<10000x16xf32>
    %get3A_4 = arith.constant 1 : index
    %get3A_5 = arith.constant 0 : index
    %get3A_6 = arith.constant 0 : index
    %get3A_7 = vector.load %arg0[%get3A_4, %get3A_5, %get3A_6] : memref<2x10240x16xf32, #tpu.memory_space<vmem>>, vector<1x10240x16xf32>
    %get3A_8 = vector.shape_cast %get3A_7 : vector<1x10240x16xf32> to vector<10240x16xf32>
    %slice3A_9 = vector.extract_strided_slice %get3A_8 {offsets = [0, 0], sizes = [10000, 16], strides = [1, 1]} : vector<10240x16xf32> to vector<10000x16xf32>
    %add3A = arith.addf %slice3A, %slice3A_9 : vector<10000x16xf32>
    %get3A_10 = arith.constant 0 : index
    %get3A_11 = arith.constant 0 : index
    %get3A_12 = vector.load %arg1[%get3A_10, %get3A_11] : memref<10240x16xf32, #tpu.memory_space<vmem>>, vector<10000x16xf32>
    %add3A_13 = arith.addf %add3A, %get3A_12 : vector<10000x16xf32>
    %get3A_14 = arith.constant 0 : index
    %get3A_15 = arith.constant 0 : index
    %get3A_16 = vector.load %arg3[%get3A_14, %get3A_15] : memref<16x1xf32, #tpu.memory_space<vmem>>, vector<16x1xf32>
    %dot_general3A = arith.constant dense<0.000000e+00> : vector<10000x1xf32>
    %dot_general3A_17 = tpu.matmul %add3A_13, %get3A_16, %dot_general3A {dimension_numbers = #tpu.dot_dimension_numbers<[1], [0], [0], [1], [0, 0, 1, 1], [], []>, transpose_lhs_hint = false} : vector<10000x16xf32>, vector<16x1xf32>, vector<10000x1xf32> -> vector<10000x1xf32>
    %get3A_18 = arith.constant 0 : index
    %get3A_19 = arith.constant 0 : index
    %get3A_20 = vector.load %arg2[%get3A_18, %get3A_19] : memref<10240x1xf32, #tpu.memory_space<vmem>>, vector<10000x1xf32>
    %mul3A = arith.mulf %dot_general3A_17, %get3A_20 : vector<10000x1xf32>
    %get3A_21 = arith.constant 0 : index
    %get3A_22 = arith.constant 0 : index
    %get3A_23 = vector.load %arg4[%get3A_21, %get3A_22] : memref<1x1xf32, #tpu.memory_space<vmem>>, vector<1x1xf32>
    %add3A_24 = vector.broadcast %get3A_23 : vector<1x1xf32> to vector<10000x1xf32>
    %add3A_25 = arith.addf %mul3A, %add3A_24 : vector<10000x1xf32>
    %swap3A = arith.constant 0 : index
    %swap3A_26 = arith.constant 0 : index
    %swap3A_27 = vector.load %arg5[%swap3A, %swap3A_26] : memref<10000x1xf32, #tpu.memory_space<vmem>>, vector<10000x1xf32>
    tpu.vector_store %arg5[%swap3A, %swap3A_26], %add3A_25 {strides = array<i32>} : memref<10000x1xf32, #tpu.memory_space<vmem>>, vector<10000x1xf32>,
    return
  }
}

</mosaic_0001>

<sc_bundles>
// kernel: kernel.11.cloned.1.call-start
scs
__scs_entry_jumppad:
0x0: {  	(pc) =	sbr.rel $0x88, $3  }
0x1: {  	(tag) =	ssettag $0x0;
	lr =	simm.s32 $0x1  }
0x2: {  	[smem:$0x3F9B] =	sst lr;
	_ =	strace $0xD0000000  }
0x3: {  	_ = 	snop  }
0x4: {  	_ = 	snop  }
0x5: {  	_ = 	snop  }
0x6: {  	_ = 	snop  }
0x7: {  	_ = 	snop  }
__scs_overlays_trampoline_lowered:
0x8: {  	[smem:$0x3FAA] =	sst s0  }
0x9: {  	[smem:$0x3FAB] =	sst s1  }
0xa: {  	[smem:$0x3FAC] =	sst s2  }
0xb: {  	[smem:$0x3FAD] =	sst s3  }
0xc: {  	[smem:$0x3FAE] =	sst s4  }
0xd: {  	[smem:$0x3FAF] =	sst s5  }
0xe: {  	[smem:$0x3FB0] =	sst s6  }
0xf: {  	[smem:$0x3FB1] =	sst s7  }
0x10: {  	[smem:$0x3FB2] =	sst s8  }
0x11: {  	[smem:$0x3FB3] =	sst s9;
	s0 =	simm.s32 @!p0 $0x0  }
0x12: {  	s1 =	sld [smem:$0x3F99];
	s0 =	simm.s32 @p0 $0x1  }
0x13: {  	[smem:$0x3FB4] =	sst s0;
	s0 =	simm.s32 @!p1 $0x0  }
0x14: {  	s2 =	sld [smem:$0x3F98];
	s0 =	simm.s32 @p1 $0x1  }
0x15: {  	[smem:$0x3FB5] =	sst s0;
	s0 =	simm.s32 @!p2 $0x0  }
0x16: {  	s3 =	sld [smem:$0x3FDB];
	s0 =	simm.s32 @p2 $0x1  }
0x17: {  	s4 =	simm.s32 $0x1BF5;
	[smem:$0x3FB7] =	sst s0  }
0x18: {  	s0 =	sld [smem:$0x3F9A];
	_ =	swait.ge [sflag:s4], $0x0  }
0x19: {  	s7 =	sld [smem:$0x3F9B]  }
0x1a: {  	s8 =	sadd.s32 $0xFFFFE003, lr  }
0x1b: {  	s9 =	sadd.s32 $0xFFFFFEF7, lr;
	s5 =	simm.s32 $0xFFFFFFFF;
	p2 =	slt.u32 s8, $0xFFFFF086  }
0x1c: {  	p1 =	slt.u32 s9, $0xF7A;
	s5 =	simm.s32 @!p2 $0x0  }
0x1d: {  	s5 =	simm.s32 @p1 $0x1;
	p0 =	seq.s32 s7, s2  }
0x1e: {  	s7 =	smul.u32 @!p0 $0xF7A, s2;
	p2 =	seq.s32 @!p0 s5, $0x0  }
0x1f: {  	s9 =	smul.u32 $0xF7A, s1;
	s8 =	simm.s32 @!p0 $0x1BF5;
	p2 =	por !p2, p0  }
0x20: {  	[sflag:s8] =	ssyncset.s32 @!p0 $0xFFFFF086;
	s6 =	sadd.s32 @!p0 s3, s7;
	s7 =	simm.s32 @!p0 $0x108  }
0x21: {  	s3 =	sadd.s32 s3, s9;
	s6 =	sadd.s32 @!p0 $0x88, s6;
	s7 =	simm.s32 @p2 $0x1082  }
0x22: {  	[simem:s7], [sflag:s8] =	dma.local @!p0 [hbm:s6], $0xF7A  }
0x23: {  	s9 =	sor.u32 $0xD0000000, s2;
	s6 =	simm.s32 $0x108;
	_ =	swait.ge @!p0 [sflag:s8], $0x0  }
0x24: {  	s3 =	sadd.s32 $0x88, s3;
	s6 =	simm.s32 @!p1 $0x1082;
	[sflag:s4] =	ssyncset.s32 $0xFFFFF086  }
0x25: {  	[simem:s6], [sflag:s4] =	dma.local [hbm:s3], $0xF7A  }
0x26: {  	[smem:$0x3F9B] =	sst s1;
	(tag) =	ssettag s2;
	_ =	strace s9  }
0x27: {  	s1 =	sld [smem:$0x3FAB]  }
0x28: {  	s2 =	sld [smem:$0x3FAC]  }
0x29: {  	s4 =	sld [smem:$0x3FAE]  }
0x2a: {  	p0 =	seq.s32 s5, $0x0;
	s5 =	sld [smem:$0x3FAF]  }
0x2b: {  	s6 =	sld [smem:$0x3FB0]  }
0x2c: {  	s7 =	sld [smem:$0x3FB1]  }
0x2d: {  	s3 =	simm.s32 $0x108;
	s8 =	sld [smem:$0x3FB2]  }
0x2e: {  	s3 =	simm.s32 @!p0 $0x1082;
	s9 =	sld [smem:$0x3FB3]  }
0x2f: {  	lr =	sadd.s32 s0, s3;
	s0 =	sld [smem:$0x3FAA]  }
0x30: {  	s3 =	sld [smem:$0x3FAD]  }
0x31: {  	[smem:$0x3FB6] =	sst s10  }
0x32: {  	s10 =	sld [smem:$0x3FB4];
	_ =	sdelay $0x3  }
0x33: {  	p0 =	seq.s32 s10, $0x1;
	s10 =	sld [smem:$0x3FB6];
	_ =	sdelay $0x3  }
0x34: {  	[smem:$0x3FB6] =	sst s10  }
0x35: {  	s10 =	sld [smem:$0x3FB5];
	_ =	sdelay $0x3  }
0x36: {  	p1 =	seq.s32 s10, $0x1;
	s10 =	sld [smem:$0x3FB6];
	_ =	sdelay $0x3  }
0x37: {  	[smem:$0x3FB6] =	sst s10  }
0x38: {  	s10 =	sld [smem:$0x3FB7]  }
0x39: {  	_ = 	snop;
	(pc) =	sbr.ind lr, $3  }
0x3a: {  	_ = 	snop  }
0x3b: {  	_ = 	snop  }
0x3c: {  	p2 =	seq.s32 s10, $0x1;
	s10 =	sld [smem:$0x3FB6]  }
0x3d: {  	_ =	shalt  }
0x3e: {  	_ =	shalt  }
0x3f: {  	_ =	shalt  }
0x40: {  	_ =	shalt  }
0x41: {  	_ =	shalt  }
0x42: {  	_ =	shalt  }
0x43: {  	_ =	shalt  }
0x44: {  	_ =	shalt  }
0x45: {  	_ =	shalt  }
0x46: {  	_ =	shalt  }
0x47: {  	_ =	shalt  }
0x48: {  	_ =	shalt  }
0x49: {  	_ =	shalt  }
0x4a: {  	_ =	shalt  }
0x4b: {  	_ =	shalt  }
0x4c: {  	_ =	shalt  }
0x4d: {  	_ =	shalt  }
0x4e: {  	_ =	shalt  }
0x4f: {  	_ =	shalt  }
0x50: {  	_ =	shalt  }
0x51: {  	_ =	shalt  }
0x52: {  	_ =	shalt  }
0x53: {  	_ =	shalt  }
0x54: {  	_ =	shalt  }
0x55: {  	_ =	shalt  }
0x56: {  	_ =	shalt  }
0x57: {  	_ =	shalt  }
0x58: {  	_ =	shalt  }
0x59: {  	_ =	shalt  }
0x5a: {  	_ =	shalt  }
0x5b: {  	_ =	shalt  }
0x5c: {  	_ =	shalt  }
0x5d: {  	_ =	shalt  }
0x5e: {  	_ =	shalt  }
0x5f: {  	_ =	shalt  }
0x60: {  	_ =	shalt  }
0x61: {  	_ =	shalt  }
0x62: {  	_ =	shalt  }
0x63: {  	_ =	shalt  }
0x64: {  	_ =	shalt  }
0x65: {  	_ =	shalt  }
0x66: {  	_ =	shalt  }
0x67: {  	_ =	shalt  }
0x68: {  	_ =	shalt  }
0x69: {  	_ =	shalt  }
0x6a: {  	_ =	shalt  }
0x6b: {  	_ =	shalt  }
0x6c: {  	_ =	shalt  }
0x6d: {  	_ =	shalt  }
0x6e: {  	_ =	shalt  }
0x6f: {  	_ =	shalt  }
0x70: {  	_ =	shalt  }
0x71: {  	_ =	shalt  }
0x72: {  	_ =	shalt  }
0x73: {  	_ =	shalt  }
0x74: {  	_ =	shalt  }
0x75: {  	_ =	shalt  }
0x76: {  	_ =	shalt  }
0x77: {  	_ =	shalt  }
0x78: {  	_ =	shalt  }
0x79: {  	_ =	shalt  }
0x7a: {  	_ =	shalt  }
0x7b: {  	_ =	shalt  }
0x7c: {  	_ =	shalt  }
0x7d: {  	_ =	shalt  }
0x7e: {  	_ =	shalt  }
0x7f: {  	_ =	shalt  }
0x80: {  	_ =	shalt  }
0x81: {  	_ =	shalt  }
0x82: {  	_ =	shalt  }
0x83: {  	_ =	shalt  }
0x84: {  	_ =	shalt  }
0x85: {  	_ =	shalt  }
0x86: {  	_ =	shalt  }
0x87: {  	_ =	shalt  }
.Lfunc_end0:
.L_simem_size_0:
called_computation.1_lowered:
.L_overlay_start_0:
0x88: {  	s2 =	sld [smem:$0x3FD9]  }
0x89: {  	s3 =	sld [smem:$0x3FFE];
	_ =	sdelay $0x1  }
0x8a: {  	s1 =	srdreg.scid  }
0x8b: {  	s0 =	sand.u32 $0x1, s1  }
0x8c: {  	s16 =	sshll.u32 s0, $0xA;
	s2 =	sadd.s32 s3, s2  }
0x8d: {  	s2 =	sadd.s32 s2, s16  }
0x8e: {  	[smem:$0x3FC2] =	sst s2  }
0x8f: {  	_ = 	snop  }
0x90: {  	(tm) =	ssettm $0x1  }
0x91: {  	s17 =	sld [smem:$0x3FFB];
	_ =	sdelay $0x3  }
0x92: {  	_ =	strace s17  }
0x93: {  	s2 =	sld [smem:$0x3FFC];
	_ =	sdelay $0x3  }
0x94: {  	_ =	strace s2  }
0x95: {  	s2 =	sld [smem:$0x3FFD];
	_ =	sdelay $0x3  }
0x96: {  	_ =	strace s2  }
0x97: {  	_ =	strace $0x8FFFFFFF  }
0x98: {  	s18 =	sld [smem:$0x3FDB];
	_ =	sdelay $0x1  }
0x99: {  	s19 =	simm.s32 $_scs_section_size  }
0x9a: {  	s4 =	simm.s32 $_size__tile_overlayer_lowered;
	s5 =	simm.s32 $_tile_overlayer_lowered  }
0x9b: {  	s22 =	simm.s32 $0x1BFF;
	s21 =	sshll.u32 s5, $0x1;
	s2 =	sadd.s32 s19, s18  }
0x9c: {  	s6 =	simm.s32 $0x0;
	s20 =	sshll.u32 s4, $0x1;
	s4 =	sadd.s32 s21, s2  }
0x9d: {  	[timem:s6], [sflag:s22] =	dma.local [hbm:s4], s20  }
0x9e: {  	_ =	swait.ge [sflag:s22], s20  }
0x9f: {  	s3 =	ssub.s32 $0x0, s20;
	[sflag:s22] =	ssyncset.done $0x0  }
0xa0: {  	[sflag:s22] =	ssyncadd.s32 s3;
	_ =	sdelay $0x1  }
0xa1: {  	s23 =	simm.s32 $0x1B8B  }
0xa2: {  	_ =	swait.ge [sflag:s23], $0x1  }
0xa3: {  	[sflag:s23] =	ssyncset.done $0x0  }
0xa4: {  	s25 =	simm.s32 $0x1B8E;
	s24 =	sld [smem:$0x3FFE];
	[sflag:s23] =	ssyncadd.s32 $0xFFFFFFFF  }
0xa5: {  	s26 =	simm.s32 $execute0_lowered;
	[smem:$0x3FD2] =	sst s25  }
0xa6: {  	s4 =	sshll.u32 s26, $0x1;
	_ =	strace $0x80000049;
	[dreg:$0x1] =	wrdreg $0xFFFFFFFF  }
0xa7: {  	s28 =	simm.s32 $_size_execute0_lowered;
	s2 =	sadd.s32 s2, s4;
	[dreg:$0x0] =	wrdreg $0x0  }
0xa8: {  	s4 =	sshll.u32 s28, $0x1;
	[dreg:$0x2] =	wrdreg s2  }
0xa9: {  	[dreg:$0x3] =	wrdreg s4  }
0xaa: {  	[dreg:$0x4] =	wrdreg $0xC0  }
0xab: {  	_ =	task [dreg:s6], $0x5FFFF  }
0xac: {  	[dreg:$0x1] =	wrdreg $0xFFFFFFFF  }
0xad: {  	[dreg:$0x0] =	wrdreg $0x60  }
0xae: {  	[dreg:$0x2] =	wrdreg s24  }
0xaf: {  	[dreg:$0x3] =	wrdreg $0x1C5200  }
0xb0: {  	[dreg:$0x4] =	wrdreg $0x9  }
0xb1: {  	_ =	task.clear_ibuf [dreg:s6], $0x5FFFF;
	_ =	strace $0x90000049  }
0xb2: {  	s29 =	simm.s32 $0x9;
	_ =	strace $0x8000004B  }
0xb3: {  	_ =	swait.ge [sflag:s29], $0x1  }
0xb4: {  	[sflag:s29] =	ssyncadd.s32 $0xFFFFFFFF  }
0xb5: {  	_ =	strace $0x9000004B  }
0xb6: {  	_ =	sfence  }
0xb7: {  	s30 =	sld [smem:$0x0];
	_ =	sdelay $0x2  }
0xb8: {  	s31 =	sshll.u32 s1, $0xD;
	s1 =	sshrl.u32 s1, $0x2  }
0xb9: {  	s3 =	sand.u32 $0x4000, s31;
	s1 =	sadd.s32 s1, s30  }
0xba: {  	s0 =	sor.u32 s3, s0;
	s1 =	sshll.u32 s1, $0x11  }
0xbb: {  	s0 =	sor.u32 s1, s0  }
0xbc: {  	s0 =	sadd.s32 $0x8F2B, s0  }
0xbd: {  	[sflag:s0] =	ssyncadd.remote.s32 $0x1  }
0xbe: {  	_ =	sfence.sel $0xFFFF  }
0xbf: {  	[dreg:$0x0] =	wrdreg $0xFFFFFFFF;
	(pc) =	sbr.abs _section_cstart, $3  }
0xc0: {  	[dreg:$0x1] =	wrdreg $0xFFFFFFFF  }
0xc1: {  	_ =	task.clear_ibuf [dreg:s6], $0x2FFFF;
	_ =	strace $0x9FFFFFFF  }
0xc2: {  	(tm) =	ssettm $0x7FFFFFFF  }
0xc3: {  	_ =	shalt  }
tec
execute0_lowered:
.L_overlay_start_1:
0x0: {  	(tag) =	ssettag $0x1  }
0x1: {  	s30 =	rddreg [dreg:$0x0];
	s1 =	srdreg.scid  }
0x2: {  	s0 =	stileid.u32;
	s3 =	simm.s32 $0x0;
	s31 =	sand.u32 $0x1, s1  }
0x3: {  	s1 =	smul.u32 $0x2800, s0;
	[smem:$0x7FF] =	sst s3;
	s4 =	sshll.u32 s31, $0x4  }
0x4: {  	s2 =	rddreg [dreg:$0x1];
	_ =	strace $0x8000004A;
	s4 =	sor.u32 s0, s4  }
0x5: {  	s5 =	sshrl.u32 s1, $0x3;
	s6 =	sadd.s32 s1, s2;
	s0 =	sshll.u32 s0, $0x6  }
0x6: {  	s8 =	smul.u32 $0x2710, s4;
	s26 =	sadd.s32 s5, s30;
	s5 =	sor.u32 $0x1C07, s0  }
0x7: {  	s7 =	sshrl.u32 s6, $0x3;
	s6 =	simm.s32 $0x7;
	s4 =	sadd.s32 $0x1A600, s26  }
0x8: {  	[spmem:s7], [sflag:s5] =	dma.local [hbm:s4], $0x500  }
0x9: {  	s8 =	sshrl.u32 s8, $0x3;
	_ =	swait.ge [sflag:s6], $0x500  }
0xa: {  	s9 =	sadd.s32 s8, s30;
	[sflag:s6] =	ssyncset.done $0x0  }
0xb: {  	s8 =	sadd.s32 $0x1C00, s9;
	[sflag:s6] =	ssyncadd.s32 $0xFFFFFB00  }
0xc: {  	[tilespmem:s3], [sflag:$0x7] =	stream.linear.gather [hbm4b:s8+s3], $0x2710, $0x38;
	[tilespmem:$0x1ED20] =	vst v63  }
0xd: {  	_ =	swait.ge [sflag:s6], $0x2710  }
0xe: {  	[sflag:s6] =	ssyncset.done $0x0  }
0xf: {  	s10 =	simm.s32 $0x2710;
	s9 =	sadd.s32 $0xB840, s9;
	[sflag:s6] =	ssyncadd.s32 $0xFFFFD8F0  }
0x10: {  	[tilespmem:s10], [sflag:$0x7] =	stream.linear.gather [hbm4b:s9+s3], $0x2710, $0x38;
	[tilespmem:$0x1ED20] =	vst v63  }
0x11: {  	_ =	swait.ge [sflag:s6], $0x2710  }
0x12: {  	[sflag:s6] =	ssyncset.done $0x0  }
0x13: {  	s12 =	simm.s32 $0x7D0;
	[sflag:s6] =	ssyncadd.s32 $0xFFFFD8F0  }
0x14: {  	s13 =	simm.s32 $0x4E20;
	s11 =	sadd.s32 $0x15600, s30;
	[bflag:$0x0] =	sbarrier.arrive $0xFFFF  }
0x15: {  	[tilespmem:s13], [sflag:$0x1] =	stream.indirect.gather [hbm4b:s11+s12], $0x10, s3, s12, $0xb8;
	[tilespmem:$0x1ED20] =	vst v63  }
0x16: {  	s14 =	simm.s32 $0xCB20;
	s15 =	simm.s32 $0x1  }
0x17: {  	[tilespmem:s14], [sflag:$0x2] =	stream.indirect.gather [hbm4b:s11+s12], $0x10, s12, s12, $0xb8;
	[tilespmem:$0x1ED20] =	vst v63  }
0x18: {  	_ =	swait.ge [sflag:s15], $0x7D00  }
0x19: {  	[sflag:s15] =	ssyncset.done $0x0  }
0x1a: {  	[sflag:s15] =	ssyncadd.s32 $0xFFFF8300  }
0x1b: {  	[spmem:s2] =	stream.indirect.scatter.add.f32 [tilespmem:s13], [sflag:$0x4], $0x10, s10, s12, $0xb8;
	[tilespmem:$0x1ED20] =	vst v63  }
0x1c: {  	s16 =	simm.s32 $0xFA0;
	s17 =	simm.s32 $0x14820;
	s18 =	simm.s32 $0x2  }
0x1d: {  	[tilespmem:s17], [sflag:$0x3] =	stream.indirect.gather [hbm4b:s11+s12], $0x10, s16, s12, $0xb8;
	[tilespmem:$0x1ED20] =	vst v63  }
0x1e: {  	_ =	swait.ge [sflag:s18], $0x7D00  }
0x1f: {  	[sflag:s18] =	ssyncset.done $0x0  }
0x20: {  	s19 =	simm.s32 $0x2EE0;
	s20 =	simm.s32 $0x4;
	[sflag:s18] =	ssyncadd.s32 $0xFFFF8300  }
0x21: {  	[spmem:s2] =	stream.indirect.scatter.add.f32 [tilespmem:s14], [sflag:$0x5], $0x10, s19, s12, $0xb8;
	[tilespmem:$0x1ED20] =	vst v63  }
0x22: {  	_ =	swait.ge [sflag:s20], $0x7D00  }
0x23: {  	[sflag:s20] =	ssyncset.done $0x0  }
0x24: {  	s21 =	simm.s32 $0x1770;
	s22 =	simm.s32 $0x3;
	[sflag:s20] =	ssyncadd.s32 $0xFFFF8300  }
0x25: {  	[tilespmem:s13], [sflag:$0x1] =	stream.indirect.gather [hbm4b:s11+s12], $0x10, s21, s12, $0xb8;
	[tilespmem:$0x1ED20] =	vst v63  }
0x26: {  	_ =	swait.ge [sflag:s22], $0x7D00  }
0x27: {  	[sflag:s22] =	ssyncset.done $0x0  }
0x28: {  	s23 =	simm.s32 $0x36B0;
	s24 =	simm.s32 $0x5;
	[sflag:s22] =	ssyncadd.s32 $0xFFFF8300  }
0x29: {  	[spmem:s2] =	stream.indirect.scatter.add.f32 [tilespmem:s17], [sflag:$0x6], $0x10, s23, s12, $0xb8;
	[tilespmem:$0x1ED20] =	vst v63  }
0x2a: {  	_ =	swait.ge [sflag:s24], $0x7D00  }
0x2b: {  	[sflag:s24] =	ssyncset.done $0x0  }
0x2c: {  	s25 =	simm.s32 $0x1F40;
	[sflag:s24] =	ssyncadd.s32 $0xFFFF8300  }
0x2d: {  	[tilespmem:s14], [sflag:$0x2] =	stream.indirect.gather [hbm4b:s11+s12], $0x10, s25, s12, $0xb8;
	[tilespmem:$0x1ED20] =	vst v63  }
0x2e: {  	_ =	swait.ge [sflag:s15], $0x7D00  }
0x2f: {  	[sflag:s15] =	ssyncset.done $0x0  }
0x30: {  	s26 =	simm.s32 $0x3E80;
	[sflag:s15] =	ssyncadd.s32 $0xFFFF8300  }
0x31: {  	[spmem:s2] =	stream.indirect.scatter.add.f32 [tilespmem:s13], [sflag:$0x4], $0x10, s26, s12, $0xb8;
	[tilespmem:$0x1ED20] =	vst v63  }
0x32: {  	_ =	swait.ge [sflag:s18], $0x7D00  }
0x33: {  	[sflag:s18] =	ssyncset.done $0x0  }
0x34: {  	s28 =	simm.s32 $0x4650;
	s29 =	simm.s32 $0x6;
	[sflag:s18] =	ssyncadd.s32 $0xFFFF8300  }
0x35: {  	[spmem:s2] =	stream.indirect.scatter.add.f32 [tilespmem:s14], [sflag:$0x5], $0x10, s28, s12, $0xb8;
	[tilespmem:$0x1ED20] =	vst v63  }
0x36: {  	_ =	swait.ge [sflag:s29], $0x7D00  }
0x37: {  	s0 =	smul.u32 $0x28000, s31;
	[sflag:s29] =	ssyncset.done $0x0  }
0x38: {  	[sflag:s29] =	ssyncadd.s32 $0xFFFF8300  }
0x39: {  	s0 =	sadd.s32 s1, s0;
	s1 =	ssub.s32 $0x2, s31;
	_ =	swait.ge [sflag:s20], $0x7D00  }
0x3a: {  	s31 =	sshrl.u32 s1, $0x1;
	[sflag:s20] =	ssyncset.done $0x0  }
0x3b: {  	s1 =	ssub.s32 s1, s31;
	[sflag:s20] =	ssyncadd.s32 $0xFFFF8300  }
0x3c: {  	s1 =	smax.u32 s1, $0x1;
	_ =	swait.ge [sflag:s24], $0x7D00  }
0x3d: {  	s0 =	sshrl.u32 s0, $0x3;
	p0 =	sne.s32 s1, $0x1;
	[sflag:s24] =	ssyncset.done $0x0  }
.Ltmp0:
0x3e: {  	s0 =	sadd.s32 s0, s30;
	[sflag:s24] =	ssyncadd.s32 $0xFFFF8300;
	(pc) =	sbr.rel @!p0 .LBB2_2-.Ltmp0, $4  }
0x3f: {  	s30 =	sadd.s32 $0x1F600, s0;
	[bflag:$0x0] =	sbarrier.arrive $0xFFFF  }
0x40: {  	[hbm:s30], [sflag:s5] =	dma.local [spmem:s7], $0x500  }
0x41: {  	_ =	swait.ge [sflag:s6], $0x500  }
0x42: {  	s31 =	sadd.s32 $0xFFFFFFFF, s1;
	[sflag:s6] =	ssyncset.done $0x0  }
.LBB2_1:
0x43: {  	p0 =	sne.s32 s31, $0x1;
	s31 =	sadd.s32 $0xFFFFFFFF, s31;
	[sflag:s6] =	ssyncadd.s32 $0xFFFFFB00  }
0x44: {  	[spmem:s7], [sflag:s5] =	dma.local [hbm:s4], $0x500  }
0x45: {  	_ =	swait.ge [sflag:s6], $0x500  }
0x46: {  	[sflag:s6] =	ssyncset.done $0x0  }
0x47: {  	[sflag:s6] =	ssyncadd.s32 $0xFFFFFB00  }
0x48: {  	[tilespmem:s3], [sflag:$0x7] =	stream.linear.gather [hbm4b:s8+s3], $0x2710, $0x38;
	[tilespmem:$0x1ED20] =	vst v63  }
0x49: {  	_ =	swait.ge [sflag:s6], $0x2710  }
0x4a: {  	[sflag:s6] =	ssyncset.done $0x0  }
0x4b: {  	[sflag:s6] =	ssyncadd.s32 $0xFFFFD8F0  }
0x4c: {  	[tilespmem:s10], [sflag:$0x7] =	stream.linear.gather [hbm4b:s9+s3], $0x2710, $0x38;
	[tilespmem:$0x1ED20] =	vst v63  }
0x4d: {  	_ =	swait.ge [sflag:s6], $0x2710  }
0x4e: {  	[sflag:s6] =	ssyncset.done $0x0  }
0x4f: {  	[sflag:s6] =	ssyncadd.s32 $0xFFFFD8F0  }
0x50: {  	[bflag:$0x0] =	sbarrier.arrive $0xFFFF  }
0x51: {  	[tilespmem:s13], [sflag:$0x1] =	stream.indirect.gather [hbm4b:s11+s12], $0x10, s3, s12, $0xb8;
	[tilespmem:$0x1ED20] =	vst v63  }
0x52: {  	_ = 	snop  }
0x53: {  	[tilespmem:s14], [sflag:$0x2] =	stream.indirect.gather [hbm4b:s11+s12], $0x10, s12, s12, $0xb8;
	[tilespmem:$0x1ED20] =	vst v63  }
0x54: {  	_ =	swait.ge [sflag:s15], $0x7D00  }
0x55: {  	[sflag:s15] =	ssyncset.done $0x0  }
0x56: {  	[sflag:s15] =	ssyncadd.s32 $0xFFFF8300  }
0x57: {  	[spmem:s2] =	stream.indirect.scatter.add.f32 [tilespmem:s13], [sflag:$0x4], $0x10, s10, s12, $0xb8;
	[tilespmem:$0x1ED20] =	vst v63  }
0x58: {  	_ = 	snop  }
0x59: {  	[tilespmem:s17], [sflag:$0x3] =	stream.indirect.gather [hbm4b:s11+s12], $0x10, s16, s12, $0xb8;
	[tilespmem:$0x1ED20] =	vst v63  }
0x5a: {  	_ =	swait.ge [sflag:s18], $0x7D00  }
0x5b: {  	[sflag:s18] =	ssyncset.done $0x0  }
0x5c: {  	[sflag:s18] =	ssyncadd.s32 $0xFFFF8300  }
0x5d: {  	[spmem:s2] =	stream.indirect.scatter.add.f32 [tilespmem:s14], [sflag:$0x5], $0x10, s19, s12, $0xb8;
	[tilespmem:$0x1ED20] =	vst v63  }
0x5e: {  	_ =	swait.ge [sflag:s20], $0x7D00  }
0x5f: {  	[sflag:s20] =	ssyncset.done $0x0  }
0x60: {  	[sflag:s20] =	ssyncadd.s32 $0xFFFF8300  }
0x61: {  	[tilespmem:s13], [sflag:$0x1] =	stream.indirect.gather [hbm4b:s11+s12], $0x10, s21, s12, $0xb8;
	[tilespmem:$0x1ED20] =	vst v63  }
0x62: {  	_ =	swait.ge [sflag:s22], $0x7D00  }
0x63: {  	[sflag:s22] =	ssyncset.done $0x0  }
0x64: {  	[sflag:s22] =	ssyncadd.s32 $0xFFFF8300  }
0x65: {  	[spmem:s2] =	stream.indirect.scatter.add.f32 [tilespmem:s17], [sflag:$0x6], $0x10, s23, s12, $0xb8;
	[tilespmem:$0x1ED20] =	vst v63  }
0x66: {  	_ =	swait.ge [sflag:s24], $0x7D00  }
0x67: {  	[sflag:s24] =	ssyncset.done $0x0  }
0x68: {  	[sflag:s24] =	ssyncadd.s32 $0xFFFF8300  }
0x69: {  	[tilespmem:s14], [sflag:$0x2] =	stream.indirect.gather [hbm4b:s11+s12], $0x10, s25, s12, $0xb8;
	[tilespmem:$0x1ED20] =	vst v63  }
0x6a: {  	_ =	swait.ge [sflag:s15], $0x7D00  }
0x6b: {  	[sflag:s15] =	ssyncset.done $0x0  }
0x6c: {  	[sflag:s15] =	ssyncadd.s32 $0xFFFF8300  }
0x6d: {  	[spmem:s2] =	stream.indirect.scatter.add.f32 [tilespmem:s13], [sflag:$0x4], $0x10, s26, s12, $0xb8;
	[tilespmem:$0x1ED20] =	vst v63  }
0x6e: {  	_ =	swait.ge [sflag:s18], $0x7D00  }
0x6f: {  	[sflag:s18] =	ssyncset.done $0x0  }
0x70: {  	[sflag:s18] =	ssyncadd.s32 $0xFFFF8300  }
0x71: {  	[spmem:s2] =	stream.indirect.scatter.add.f32 [tilespmem:s14], [sflag:$0x5], $0x10, s28, s12, $0xb8;
	[tilespmem:$0x1ED20] =	vst v63  }
0x72: {  	_ =	swait.ge [sflag:s29], $0x7D00  }
0x73: {  	[sflag:s29] =	ssyncset.done $0x0  }
0x74: {  	[sflag:s29] =	ssyncadd.s32 $0xFFFF8300  }
0x75: {  	_ =	swait.ge [sflag:s20], $0x7D00  }
0x76: {  	[sflag:s20] =	ssyncset.done $0x0  }
0x77: {  	[sflag:s20] =	ssyncadd.s32 $0xFFFF8300  }
0x78: {  	_ =	swait.ge [sflag:s24], $0x7D00  }
0x79: {  	[sflag:s24] =	ssyncset.done $0x0  }
.Ltmp1:
0x7a: {  	[sflag:s24] =	ssyncadd.s32 $0xFFFF8300;
	(pc) =	sbr.rel @p0 .LBB2_1-.Ltmp1, $4  }
0x7b: {  	[bflag:$0x0] =	sbarrier.arrive $0xFFFF  }
0x7c: {  	[hbm:s30], [sflag:s5] =	dma.local [spmem:s7], $0x500  }
0x7d: {  	_ =	swait.ge [sflag:s6], $0x500  }
0x7e: {  	[sflag:s6] =	ssyncset.done $0x0  }
.LBB2_2:
0x7f: {  	[sflag:s6] =	ssyncadd.s32 $0xFFFFFB00  }
0x80: {  	_ =	sfence.sel $0x180000  }
0x81: {  	[bflag:$0x0] =	sbarrier.arrive $0xFFFF  }
0x82: {  	_ =	strace $0x9000004A  }
0x83: {  	s0 =	stileid.u32;
	[bflag:$0x2] =	sbarrier.arrive $0xFFFF  }
0x84: {  	p0 =	sne.s32 s0, $0x0;
	s0 =	rddreg [dreg:$0x2]  }
0x85: {  	s0 =	sadd.s32 @!p0 $0x100000, s0  }
0x86: {  	[sflag:s0] =	ssyncadd.tile.s32 @!p0 $0x1;
	_ =	shalt  }
.Lfunc_end2:
_tile_overlayer_lowered:
.L_overlay_start_2:
0x87: {  	(tag) =	ssettag $0x2  }
0x88: {  	s0 =	rddreg [dreg:$0x0];
	s2 =	stileid.u32  }
0x89: {  	s1 =	rddreg [dreg:$0x1];
	p0 =	sne.s32 s2, $0x0  }
0x8a: {  	s3 =	rddreg [dreg:$0x2];
	[bflag:$0x3] =	sbarrier.arrive $0xFFFF;
	s2 =	simm.s32 @!p0 $0x1C07  }
0x8b: {  	[timem:s3], [sflag:s2] =	dma.local @!p0 [hbm:s0], s1  }
0x8c: {  	s0 =	simm.s32 @!p0 $0x7  }
0x8d: {  	_ =	swait.ge @!p0 [sflag:s0], s1  }
0x8e: {  	s1 =	ssub.s32 @!p0 $0x0, s1;
	[sflag:s0] =	ssyncset.done @!p0 $0x0  }
0x8f: {  	[sflag:s0] =	ssyncadd.s32 @!p0 s1  }
0x90: {  	[bflag:$0x3] =	sbarrier.arrive $0xFFFF  }
0x91: {  	_ =	shalt  }

// kernel: kernel.14.cloned.1.call-start
scs
__scs_entry_jumppad:
0x0: {  	(pc) =	sbr.rel $0x88, $3  }
0x1: {  	(tag) =	ssettag $0x0;
	lr =	simm.s32 $0x1  }
0x2: {  	[smem:$0x3F9B] =	sst lr;
	_ =	strace $0xD0000000  }
0x3: {  	_ = 	snop  }
0x4: {  	_ = 	snop  }
0x5: {  	_ = 	snop  }
0x6: {  	_ = 	snop  }
0x7: {  	_ = 	snop  }
__scs_overlays_trampoline_lowered:
0x8: {  	[smem:$0x3FAA] =	sst s0  }
0x9: {  	[smem:$0x3FAB] =	sst s1  }
0xa: {  	[smem:$0x3FAC] =	sst s2  }
0xb: {  	[smem:$0x3FAD] =	sst s3  }
0xc: {  	[smem:$0x3FAE] =	sst s4  }
0xd: {  	[smem:$0x3FAF] =	sst s5  }
0xe: {  	[smem:$0x3FB0] =	sst s6  }
0xf: {  	[smem:$0x3FB1] =	sst s7  }
0x10: {  	[smem:$0x3FB2] =	sst s8  }
0x11: {  	[smem:$0x3FB3] =	sst s9;
	s0 =	simm.s32 @!p0 $0x0  }
0x12: {  	s1 =	sld [smem:$0x3F99];
	s0 =	simm.s32 @p0 $0x1  }
0x13: {  	[smem:$0x3FB4] =	sst s0;
	s0 =	simm.s32 @!p1 $0x0  }
0x14: {  	s2 =	sld [smem:$0x3F98];
	s0 =	simm.s32 @p1 $0x1  }
0x15: {  	[smem:$0x3FB5] =	sst s0;
	s0 =	simm.s32 @!p2 $0x0  }
0x16: {  	s3 =	sld [smem:$0x3FDB];
	s0 =	simm.s32 @p2 $0x1  }
0x17: {  	s4 =	simm.s32 $0x1BF5;
	[smem:$0x3FB7] =	sst s0  }
0x18: {  	s0 =	sld [smem:$0x3F9A];
	_ =	swait.ge [sflag:s4], $0x0  }
0x19: {  	s7 =	sld [smem:$0x3F9B]  }
0x1a: {  	s8 =	sadd.s32 $0xFFFFE003, lr  }
0x1b: {  	s9 =	sadd.s32 $0xFFFFFEF7, lr;
	s5 =	simm.s32 $0xFFFFFFFF;
	p2 =	slt.u32 s8, $0xFFFFF086  }
0x1c: {  	p1 =	slt.u32 s9, $0xF7A;
	s5 =	simm.s32 @!p2 $0x0  }
0x1d: {  	s5 =	simm.s32 @p1 $0x1;
	p0 =	seq.s32 s7, s2  }
0x1e: {  	s7 =	smul.u32 @!p0 $0xF7A, s2;
	p2 =	seq.s32 @!p0 s5, $0x0  }
0x1f: {  	s9 =	smul.u32 $0xF7A, s1;
	s8 =	simm.s32 @!p0 $0x1BF5;
	p2 =	por !p2, p0  }
0x20: {  	[sflag:s8] =	ssyncset.s32 @!p0 $0xFFFFF086;
	s6 =	sadd.s32 @!p0 s3, s7;
	s7 =	simm.s32 @!p0 $0x108  }
0x21: {  	s3 =	sadd.s32 s3, s9;
	s6 =	sadd.s32 @!p0 $0x88, s6;
	s7 =	simm.s32 @p2 $0x1082  }
0x22: {  	[simem:s7], [sflag:s8] =	dma.local @!p0 [hbm:s6], $0xF7A  }
0x23: {  	s9 =	sor.u32 $0xD0000000, s2;
	s6 =	simm.s32 $0x108;
	_ =	swait.ge @!p0 [sflag:s8], $0x0  }
0x24: {  	s3 =	sadd.s32 $0x88, s3;
	s6 =	simm.s32 @!p1 $0x1082;
	[sflag:s4] =	ssyncset.s32 $0xFFFFF086  }
0x25: {  	[simem:s6], [sflag:s4] =	dma.local [hbm:s3], $0xF7A  }
0x26: {  	[smem:$0x3F9B] =	sst s1;
	(tag) =	ssettag s2;
	_ =	strace s9  }
0x27: {  	s1 =	sld [smem:$0x3FAB]  }
0x28: {  	s2 =	sld [smem:$0x3FAC]  }
0x29: {  	s4 =	sld [smem:$0x3FAE]  }
0x2a: {  	p0 =	seq.s32 s5, $0x0;
	s5 =	sld [smem:$0x3FAF]  }
0x2b: {  	s6 =	sld [smem:$0x3FB0]  }
0x2c: {  	s7 =	sld [smem:$0x3FB1]  }
0x2d: {  	s3 =	simm.s32 $0x108;
	s8 =	sld [smem:$0x3FB2]  }
0x2e: {  	s3 =	simm.s32 @!p0 $0x1082;
	s9 =	sld [smem:$0x3FB3]  }
0x2f: {  	lr =	sadd.s32 s0, s3;
	s0 =	sld [smem:$0x3FAA]  }
0x30: {  	s3 =	sld [smem:$0x3FAD]  }
0x31: {  	[smem:$0x3FB6] =	sst s10  }
0x32: {  	s10 =	sld [smem:$0x3FB4];
	_ =	sdelay $0x3  }
0x33: {  	p0 =	seq.s32 s10, $0x1;
	s10 =	sld [smem:$0x3FB6];
	_ =	sdelay $0x3  }
0x34: {  	[smem:$0x3FB6] =	sst s10  }
0x35: {  	s10 =	sld [smem:$0x3FB5];
	_ =	sdelay $0x3  }
0x36: {  	p1 =	seq.s32 s10, $0x1;
	s10 =	sld [smem:$0x3FB6];
	_ =	sdelay $0x3  }
0x37: {  	[smem:$0x3FB6] =	sst s10  }
0x38: {  	s10 =	sld [smem:$0x3FB7]  }
0x39: {  	_ = 	snop;
	(pc) =	sbr.ind lr, $3  }
0x3a: {  	_ = 	snop  }
0x3b: {  	_ = 	snop  }
0x3c: {  	p2 =	seq.s32 s10, $0x1;
	s10 =	sld [smem:$0x3FB6]  }
0x3d: {  	_ =	shalt  }
0x3e: {  	_ =	shalt  }
0x3f: {  	_ =	shalt  }
0x40: {  	_ =	shalt  }
0x41: {  	_ =	shalt  }
0x42: {  	_ =	shalt  }
0x43: {  	_ =	shalt  }
0x44: {  	_ =	shalt  }
0x45: {  	_ =	shalt  }
0x46: {  	_ =	shalt  }
0x47: {  	_ =	shalt  }
0x48: {  	_ =	shalt  }
0x49: {  	_ =	shalt  }
0x4a: {  	_ =	shalt  }
0x4b: {  	_ =	shalt  }
0x4c: {  	_ =	shalt  }
0x4d: {  	_ =	shalt  }
0x4e: {  	_ =	shalt  }
0x4f: {  	_ =	shalt  }
0x50: {  	_ =	shalt  }
0x51: {  	_ =	shalt  }
0x52: {  	_ =	shalt  }
0x53: {  	_ =	shalt  }
0x54: {  	_ =	shalt  }
0x55: {  	_ =	shalt  }
0x56: {  	_ =	shalt  }
0x57: {  	_ =	shalt  }
0x58: {  	_ =	shalt  }
0x59: {  	_ =	shalt  }
0x5a: {  	_ =	shalt  }
0x5b: {  	_ =	shalt  }
0x5c: {  	_ =	shalt  }
0x5d: {  	_ =	shalt  }
0x5e: {  	_ =	shalt  }
0x5f: {  	_ =	shalt  }
0x60: {  	_ =	shalt  }
0x61: {  	_ =	shalt  }
0x62: {  	_ =	shalt  }
0x63: {  	_ =	shalt  }
0x64: {  	_ =	shalt  }
0x65: {  	_ =	shalt  }
0x66: {  	_ =	shalt  }
0x67: {  	_ =	shalt  }
0x68: {  	_ =	shalt  }
0x69: {  	_ =	shalt  }
0x6a: {  	_ =	shalt  }
0x6b: {  	_ =	shalt  }
0x6c: {  	_ =	shalt  }
0x6d: {  	_ =	shalt  }
0x6e: {  	_ =	shalt  }
0x6f: {  	_ =	shalt  }
0x70: {  	_ =	shalt  }
0x71: {  	_ =	shalt  }
0x72: {  	_ =	shalt  }
0x73: {  	_ =	shalt  }
0x74: {  	_ =	shalt  }
0x75: {  	_ =	shalt  }
0x76: {  	_ =	shalt  }
0x77: {  	_ =	shalt  }
0x78: {  	_ =	shalt  }
0x79: {  	_ =	shalt  }
0x7a: {  	_ =	shalt  }
0x7b: {  	_ =	shalt  }
0x7c: {  	_ =	shalt  }
0x7d: {  	_ =	shalt  }
0x7e: {  	_ =	shalt  }
0x7f: {  	_ =	shalt  }
0x80: {  	_ =	shalt  }
0x81: {  	_ =	shalt  }
0x82: {  	_ =	shalt  }
0x83: {  	_ =	shalt  }
0x84: {  	_ =	shalt  }
0x85: {  	_ =	shalt  }
0x86: {  	_ =	shalt  }
0x87: {  	_ =	shalt  }
.Lfunc_end0:
.L_simem_size_0:
called_computation.2_lowered:
.L_overlay_start_0:
0x88: {  	s2 =	sld [smem:$0x3FD9]  }
0x89: {  	s3 =	sld [smem:$0x3FFE];
	_ =	sdelay $0x1  }
0x8a: {  	s1 =	srdreg.scid  }
0x8b: {  	s0 =	sand.u32 $0x1, s1  }
0x8c: {  	s16 =	sshll.u32 s0, $0xA;
	s2 =	sadd.s32 s3, s2  }
0x8d: {  	s2 =	sadd.s32 s2, s16  }
0x8e: {  	[smem:$0x3FC2] =	sst s2  }
0x8f: {  	_ = 	snop  }
0x90: {  	(tm) =	ssettm $0x1  }
0x91: {  	s17 =	sld [smem:$0x3FFB];
	_ =	sdelay $0x3  }
0x92: {  	_ =	strace s17  }
0x93: {  	s2 =	sld [smem:$0x3FFC];
	_ =	sdelay $0x3  }
0x94: {  	_ =	strace s2  }
0x95: {  	s2 =	sld [smem:$0x3FFD];
	_ =	sdelay $0x3  }
0x96: {  	_ =	strace s2  }
0x97: {  	_ =	strace $0x8FFFFFFF  }
0x98: {  	s18 =	sld [smem:$0x3FDB];
	_ =	sdelay $0x1  }
0x99: {  	s19 =	simm.s32 $_scs_section_size  }
0x9a: {  	s4 =	simm.s32 $_size__tile_overlayer_lowered;
	s5 =	simm.s32 $_tile_overlayer_lowered  }
0x9b: {  	s22 =	simm.s32 $0x1BFF;
	s21 =	sshll.u32 s5, $0x1;
	s2 =	sadd.s32 s19, s18  }
0x9c: {  	s6 =	simm.s32 $0x0;
	s20 =	sshll.u32 s4, $0x1;
	s4 =	sadd.s32 s21, s2  }
0x9d: {  	[timem:s6], [sflag:s22] =	dma.local [hbm:s4], s20  }
0x9e: {  	_ =	swait.ge [sflag:s22], s20  }
0x9f: {  	s3 =	ssub.s32 $0x0, s20;
	[sflag:s22] =	ssyncset.done $0x0  }
0xa0: {  	[sflag:s22] =	ssyncadd.s32 s3;
	_ =	sdelay $0x1  }
0xa1: {  	s23 =	simm.s32 $0x1B8B  }
0xa2: {  	_ =	swait.ge [sflag:s23], $0x1  }
0xa3: {  	[sflag:s23] =	ssyncset.done $0x0  }
0xa4: {  	s25 =	simm.s32 $0x1B8E;
	s24 =	sld [smem:$0x3FFE];
	[sflag:s23] =	ssyncadd.s32 $0xFFFFFFFF  }
0xa5: {  	s26 =	simm.s32 $execute0_lowered;
	[smem:$0x3FD2] =	sst s25  }
0xa6: {  	s4 =	sshll.u32 s26, $0x1;
	_ =	strace $0x8000004C;
	[dreg:$0x1] =	wrdreg $0xFFFFFFFF  }
0xa7: {  	s28 =	simm.s32 $_size_execute0_lowered;
	s2 =	sadd.s32 s2, s4;
	[dreg:$0x0] =	wrdreg $0x0  }
0xa8: {  	s4 =	sshll.u32 s28, $0x1;
	[dreg:$0x2] =	wrdreg s2  }
0xa9: {  	[dreg:$0x3] =	wrdreg s4  }
0xaa: {  	[dreg:$0x4] =	wrdreg $0xC0  }
0xab: {  	_ =	task [dreg:s6], $0x5FFFF  }
0xac: {  	[dreg:$0x1] =	wrdreg $0xFFFFFFFF  }
0xad: {  	[dreg:$0x0] =	wrdreg $0x60  }
0xae: {  	[dreg:$0x2] =	wrdreg s24  }
0xaf: {  	[dreg:$0x3] =	wrdreg $0x1C5200  }
0xb0: {  	[dreg:$0x4] =	wrdreg $0x9  }
0xb1: {  	_ =	task.clear_ibuf [dreg:s6], $0x5FFFF;
	_ =	strace $0x9000004C  }
0xb2: {  	s29 =	simm.s32 $0x9;
	_ =	strace $0x8000004E  }
0xb3: {  	_ =	swait.ge [sflag:s29], $0x1  }
0xb4: {  	[sflag:s29] =	ssyncadd.s32 $0xFFFFFFFF  }
0xb5: {  	_ =	strace $0x9000004E  }
0xb6: {  	_ =	sfence  }
0xb7: {  	s30 =	sld [smem:$0x0];
	_ =	sdelay $0x2  }
0xb8: {  	s31 =	sshll.u32 s1, $0xD;
	s1 =	sshrl.u32 s1, $0x2  }
0xb9: {  	s3 =	sand.u32 $0x4000, s31;
	s1 =	sadd.s32 s1, s30  }
0xba: {  	s0 =	sor.u32 s3, s0;
	s1 =	sshll.u32 s1, $0x11  }
0xbb: {  	s0 =	sor.u32 s1, s0  }
0xbc: {  	s0 =	sadd.s32 $0x8F2B, s0  }
0xbd: {  	[sflag:s0] =	ssyncadd.remote.s32 $0x1  }
0xbe: {  	_ =	sfence.sel $0xFFFF  }
0xbf: {  	[dreg:$0x0] =	wrdreg $0xFFFFFFFF;
	(pc) =	sbr.abs _section_cstart, $3  }
0xc0: {  	[dreg:$0x1] =	wrdreg $0xFFFFFFFF  }
0xc1: {  	_ =	task.clear_ibuf [dreg:s6], $0x2FFFF;
	_ =	strace $0x9FFFFFFF  }
0xc2: {  	(tm) =	ssettm $0x7FFFFFFF  }
0xc3: {  	_ =	shalt  }
tec
execute0_lowered:
.L_overlay_start_1:
0x0: {  	(tag) =	ssettag $0x1  }
0x1: {  	s30 =	rddreg [dreg:$0x0];
	s1 =	srdreg.scid  }
0x2: {  	s0 =	stileid.u32;
	s3 =	simm.s32 $0x0;
	s31 =	sand.u32 $0x1, s1  }
0x3: {  	s1 =	smul.u32 $0x2800, s0;
	[smem:$0x7FF] =	sst s3;
	s4 =	sshll.u32 s31, $0x4  }
0x4: {  	s2 =	rddreg [dreg:$0x1];
	_ =	strace $0x8000004D;
	s4 =	sor.u32 s0, s4  }
0x5: {  	s5 =	sshrl.u32 s1, $0x3;
	s6 =	sadd.s32 s1, s2;
	s0 =	sshll.u32 s0, $0x6  }
0x6: {  	s8 =	smul.u32 $0x2710, s4;
	s26 =	sadd.s32 s5, s30;
	s5 =	sor.u32 $0x1C07, s0  }
0x7: {  	s7 =	sshrl.u32 s6, $0x3;
	s6 =	simm.s32 $0x7;
	s4 =	sadd.s32 $0x1A600, s26  }
0x8: {  	[spmem:s7], [sflag:s5] =	dma.local [hbm:s4], $0x500  }
0x9: {  	s8 =	sshrl.u32 s8, $0x3;
	_ =	swait.ge [sflag:s6], $0x500  }
0xa: {  	s9 =	sadd.s32 s8, s30;
	[sflag:s6] =	ssyncset.done $0x0  }
0xb: {  	s8 =	sadd.s32 $0x1C00, s9;
	[sflag:s6] =	ssyncadd.s32 $0xFFFFFB00  }
0xc: {  	[tilespmem:s3], [sflag:$0x7] =	stream.linear.gather [hbm4b:s8+s3], $0x2710, $0x38;
	[tilespmem:$0x1ED20] =	vst v63  }
0xd: {  	_ =	swait.ge [sflag:s6], $0x2710  }
0xe: {  	[sflag:s6] =	ssyncset.done $0x0  }
0xf: {  	s10 =	simm.s32 $0x2710;
	s9 =	sadd.s32 $0xB840, s9;
	[sflag:s6] =	ssyncadd.s32 $0xFFFFD8F0  }
0x10: {  	[tilespmem:s10], [sflag:$0x7] =	stream.linear.gather [hbm4b:s9+s3], $0x2710, $0x38;
	[tilespmem:$0x1ED20] =	vst v63  }
0x11: {  	_ =	swait.ge [sflag:s6], $0x2710  }
0x12: {  	[sflag:s6] =	ssyncset.done $0x0  }
0x13: {  	s12 =	simm.s32 $0x7D0;
	[sflag:s6] =	ssyncadd.s32 $0xFFFFD8F0  }
0x14: {  	s13 =	simm.s32 $0x4E20;
	s11 =	sadd.s32 $0x15600, s30;
	[bflag:$0x0] =	sbarrier.arrive $0xFFFF  }
0x15: {  	[tilespmem:s13], [sflag:$0x1] =	stream.indirect.gather [hbm4b:s11+s12], $0x10, s3, s12, $0xb8;
	[tilespmem:$0x1ED20] =	vst v63  }
0x16: {  	s14 =	simm.s32 $0xCB20;
	s15 =	simm.s32 $0x1  }
0x17: {  	[tilespmem:s14], [sflag:$0x2] =	stream.indirect.gather [hbm4b:s11+s12], $0x10, s12, s12, $0xb8;
	[tilespmem:$0x1ED20] =	vst v63  }
0x18: {  	_ =	swait.ge [sflag:s15], $0x7D00  }
0x19: {  	[sflag:s15] =	ssyncset.done $0x0  }
0x1a: {  	[sflag:s15] =	ssyncadd.s32 $0xFFFF8300  }
0x1b: {  	[spmem:s2] =	stream.indirect.scatter.add.f32 [tilespmem:s13], [sflag:$0x4], $0x10, s10, s12, $0xb8;
	[tilespmem:$0x1ED20] =	vst v63  }
0x1c: {  	s16 =	simm.s32 $0xFA0;
	s17 =	simm.s32 $0x14820;
	s18 =	simm.s32 $0x2  }
0x1d: {  	[tilespmem:s17], [sflag:$0x3] =	stream.indirect.gather [hbm4b:s11+s12], $0x10, s16, s12, $0xb8;
	[tilespmem:$0x1ED20] =	vst v63  }
0x1e: {  	_ =	swait.ge [sflag:s18], $0x7D00  }
0x1f: {  	[sflag:s18] =	ssyncset.done $0x0  }
0x20: {  	s19 =	simm.s32 $0x2EE0;
	s20 =	simm.s32 $0x4;
	[sflag:s18] =	ssyncadd.s32 $0xFFFF8300  }
0x21: {  	[spmem:s2] =	stream.indirect.scatter.add.f32 [tilespmem:s14], [sflag:$0x5], $0x10, s19, s12, $0xb8;
	[tilespmem:$0x1ED20] =	vst v63  }
0x22: {  	_ =	swait.ge [sflag:s20], $0x7D00  }
0x23: {  	[sflag:s20] =	ssyncset.done $0x0  }
0x24: {  	s21 =	simm.s32 $0x1770;
	s22 =	simm.s32 $0x3;
	[sflag:s20] =	ssyncadd.s32 $0xFFFF8300  }
0x25: {  	[tilespmem:s13], [sflag:$0x1] =	stream.indirect.gather [hbm4b:s11+s12], $0x10, s21, s12, $0xb8;
	[tilespmem:$0x1ED20] =	vst v63  }
0x26: {  	_ =	swait.ge [sflag:s22], $0x7D00  }
0x27: {  	[sflag:s22] =	ssyncset.done $0x0  }
0x28: {  	s23 =	simm.s32 $0x36B0;
	s24 =	simm.s32 $0x5;
	[sflag:s22] =	ssyncadd.s32 $0xFFFF8300  }
0x29: {  	[spmem:s2] =	stream.indirect.scatter.add.f32 [tilespmem:s17], [sflag:$0x6], $0x10, s23, s12, $0xb8;
	[tilespmem:$0x1ED20] =	vst v63  }
0x2a: {  	_ =	swait.ge [sflag:s24], $0x7D00  }
0x2b: {  	[sflag:s24] =	ssyncset.done $0x0  }
0x2c: {  	s25 =	simm.s32 $0x1F40;
	[sflag:s24] =	ssyncadd.s32 $0xFFFF8300  }
0x2d: {  	[tilespmem:s14], [sflag:$0x2] =	stream.indirect.gather [hbm4b:s11+s12], $0x10, s25, s12, $0xb8;
	[tilespmem:$0x1ED20] =	vst v63  }
0x2e: {  	_ =	swait.ge [sflag:s15], $0x7D00  }
0x2f: {  	[sflag:s15] =	ssyncset.done $0x0  }
0x30: {  	s26 =	simm.s32 $0x3E80;
	[sflag:s15] =	ssyncadd.s32 $0xFFFF8300  }
0x31: {  	[spmem:s2] =	stream.indirect.scatter.add.f32 [tilespmem:s13], [sflag:$0x4], $0x10, s26, s12, $0xb8;
	[tilespmem:$0x1ED20] =	vst v63  }
0x32: {  	_ =	swait.ge [sflag:s18], $0x7D00  }
0x33: {  	[sflag:s18] =	ssyncset.done $0x0  }
0x34: {  	s28 =	simm.s32 $0x4650;
	s29 =	simm.s32 $0x6;
	[sflag:s18] =	ssyncadd.s32 $0xFFFF8300  }
0x35: {  	[spmem:s2] =	stream.indirect.scatter.add.f32 [tilespmem:s14], [sflag:$0x5], $0x10, s28, s12, $0xb8;
	[tilespmem:$0x1ED20] =	vst v63  }
0x36: {  	_ =	swait.ge [sflag:s29], $0x7D00  }
0x37: {  	s0 =	smul.u32 $0x28000, s31;
	[sflag:s29] =	ssyncset.done $0x0  }
0x38: {  	[sflag:s29] =	ssyncadd.s32 $0xFFFF8300  }
0x39: {  	s0 =	sadd.s32 s1, s0;
	s1 =	ssub.s32 $0x2, s31;
	_ =	swait.ge [sflag:s20], $0x7D00  }
0x3a: {  	s31 =	sshrl.u32 s1, $0x1;
	[sflag:s20] =	ssyncset.done $0x0  }
0x3b: {  	s1 =	ssub.s32 s1, s31;
	[sflag:s20] =	ssyncadd.s32 $0xFFFF8300  }
0x3c: {  	s1 =	smax.u32 s1, $0x1;
	_ =	swait.ge [sflag:s24], $0x7D00  }
0x3d: {  	s0 =	sshrl.u32 s0, $0x3;
	p0 =	sne.s32 s1, $0x1;
	[sflag:s24] =	ssyncset.done $0x0  }
.Ltmp0:
0x3e: {  	s0 =	sadd.s32 s0, s30;
	[sflag:s24] =	ssyncadd.s32 $0xFFFF8300;
	(pc) =	sbr.rel @!p0 .LBB2_2-.Ltmp0, $4  }
0x3f: {  	s30 =	sadd.s32 $0x1F600, s0;
	[bflag:$0x0] =	sbarrier.arrive $0xFFFF  }
0x40: {  	[hbm:s30], [sflag:s5] =	dma.local [spmem:s7], $0x500  }
0x41: {  	_ =	swait.ge [sflag:s6], $0x500  }
0x42: {  	s31 =	sadd.s32 $0xFFFFFFFF, s1;
	[sflag:s6] =	ssyncset.done $0x0  }
.LBB2_1:
0x43: {  	p0 =	sne.s32 s31, $0x1;
	s31 =	sadd.s32 $0xFFFFFFFF, s31;
	[sflag:s6] =	ssyncadd.s32 $0xFFFFFB00  }
0x44: {  	[spmem:s7], [sflag:s5] =	dma.local [hbm:s4], $0x500  }
0x45: {  	_ =	swait.ge [sflag:s6], $0x500  }
0x46: {  	[sflag:s6] =	ssyncset.done $0x0  }
0x47: {  	[sflag:s6] =	ssyncadd.s32 $0xFFFFFB00  }
0x48: {  	[tilespmem:s3], [sflag:$0x7] =	stream.linear.gather [hbm4b:s8+s3], $0x2710, $0x38;
	[tilespmem:$0x1ED20] =	vst v63  }
0x49: {  	_ =	swait.ge [sflag:s6], $0x2710  }
0x4a: {  	[sflag:s6] =	ssyncset.done $0x0  }
0x4b: {  	[sflag:s6] =	ssyncadd.s32 $0xFFFFD8F0  }
0x4c: {  	[tilespmem:s10], [sflag:$0x7] =	stream.linear.gather [hbm4b:s9+s3], $0x2710, $0x38;
	[tilespmem:$0x1ED20] =	vst v63  }
0x4d: {  	_ =	swait.ge [sflag:s6], $0x2710  }
0x4e: {  	[sflag:s6] =	ssyncset.done $0x0  }
0x4f: {  	[sflag:s6] =	ssyncadd.s32 $0xFFFFD8F0  }
0x50: {  	[bflag:$0x0] =	sbarrier.arrive $0xFFFF  }
0x51: {  	[tilespmem:s13], [sflag:$0x1] =	stream.indirect.gather [hbm4b:s11+s12], $0x10, s3, s12, $0xb8;
	[tilespmem:$0x1ED20] =	vst v63  }
0x52: {  	_ = 	snop  }
0x53: {  	[tilespmem:s14], [sflag:$0x2] =	stream.indirect.gather [hbm4b:s11+s12], $0x10, s12, s12, $0xb8;
	[tilespmem:$0x1ED20] =	vst v63  }
0x54: {  	_ =	swait.ge [sflag:s15], $0x7D00  }
0x55: {  	[sflag:s15] =	ssyncset.done $0x0  }
0x56: {  	[sflag:s15] =	ssyncadd.s32 $0xFFFF8300  }
0x57: {  	[spmem:s2] =	stream.indirect.scatter.add.f32 [tilespmem:s13], [sflag:$0x4], $0x10, s10, s12, $0xb8;
	[tilespmem:$0x1ED20] =	vst v63  }
0x58: {  	_ = 	snop  }
0x59: {  	[tilespmem:s17], [sflag:$0x3] =	stream.indirect.gather [hbm4b:s11+s12], $0x10, s16, s12, $0xb8;
	[tilespmem:$0x1ED20] =	vst v63  }
0x5a: {  	_ =	swait.ge [sflag:s18], $0x7D00  }
0x5b: {  	[sflag:s18] =	ssyncset.done $0x0  }
0x5c: {  	[sflag:s18] =	ssyncadd.s32 $0xFFFF8300  }
0x5d: {  	[spmem:s2] =	stream.indirect.scatter.add.f32 [tilespmem:s14], [sflag:$0x5], $0x10, s19, s12, $0xb8;
	[tilespmem:$0x1ED20] =	vst v63  }
0x5e: {  	_ =	swait.ge [sflag:s20], $0x7D00  }
0x5f: {  	[sflag:s20] =	ssyncset.done $0x0  }
0x60: {  	[sflag:s20] =	ssyncadd.s32 $0xFFFF8300  }
0x61: {  	[tilespmem:s13], [sflag:$0x1] =	stream.indirect.gather [hbm4b:s11+s12], $0x10, s21, s12, $0xb8;
	[tilespmem:$0x1ED20] =	vst v63  }
0x62: {  	_ =	swait.ge [sflag:s22], $0x7D00  }
0x63: {  	[sflag:s22] =	ssyncset.done $0x0  }
0x64: {  	[sflag:s22] =	ssyncadd.s32 $0xFFFF8300  }
0x65: {  	[spmem:s2] =	stream.indirect.scatter.add.f32 [tilespmem:s17], [sflag:$0x6], $0x10, s23, s12, $0xb8;
	[tilespmem:$0x1ED20] =	vst v63  }
0x66: {  	_ =	swait.ge [sflag:s24], $0x7D00  }
0x67: {  	[sflag:s24] =	ssyncset.done $0x0  }
0x68: {  	[sflag:s24] =	ssyncadd.s32 $0xFFFF8300  }
0x69: {  	[tilespmem:s14], [sflag:$0x2] =	stream.indirect.gather [hbm4b:s11+s12], $0x10, s25, s12, $0xb8;
	[tilespmem:$0x1ED20] =	vst v63  }
0x6a: {  	_ =	swait.ge [sflag:s15], $0x7D00  }
0x6b: {  	[sflag:s15] =	ssyncset.done $0x0  }
0x6c: {  	[sflag:s15] =	ssyncadd.s32 $0xFFFF8300  }
0x6d: {  	[spmem:s2] =	stream.indirect.scatter.add.f32 [tilespmem:s13], [sflag:$0x4], $0x10, s26, s12, $0xb8;
	[tilespmem:$0x1ED20] =	vst v63  }
0x6e: {  	_ =	swait.ge [sflag:s18], $0x7D00  }
0x6f: {  	[sflag:s18] =	ssyncset.done $0x0  }
0x70: {  	[sflag:s18] =	ssyncadd.s32 $0xFFFF8300  }
0x71: {  	[spmem:s2] =	stream.indirect.scatter.add.f32 [tilespmem:s14], [sflag:$0x5], $0x10, s28, s12, $0xb8;
	[tilespmem:$0x1ED20] =	vst v63  }
0x72: {  	_ =	swait.ge [sflag:s29], $0x7D00  }
0x73: {  	[sflag:s29] =	ssyncset.done $0x0  }
0x74: {  	[sflag:s29] =	ssyncadd.s32 $0xFFFF8300  }
0x75: {  	_ =	swait.ge [sflag:s20], $0x7D00  }
0x76: {  	[sflag:s20] =	ssyncset.done $0x0  }
0x77: {  	[sflag:s20] =	ssyncadd.s32 $0xFFFF8300  }
0x78: {  	_ =	swait.ge [sflag:s24], $0x7D00  }
0x79: {  	[sflag:s24] =	ssyncset.done $0x0  }
.Ltmp1:
0x7a: {  	[sflag:s24] =	ssyncadd.s32 $0xFFFF8300;
	(pc) =	sbr.rel @p0 .LBB2_1-.Ltmp1, $4  }
0x7b: {  	[bflag:$0x0] =	sbarrier.arrive $0xFFFF  }
0x7c: {  	[hbm:s30], [sflag:s5] =	dma.local [spmem:s7], $0x500  }
0x7d: {  	_ =	swait.ge [sflag:s6], $0x500  }
0x7e: {  	[sflag:s6] =	ssyncset.done $0x0  }
.LBB2_2:
0x7f: {  	[sflag:s6] =	ssyncadd.s32 $0xFFFFFB00  }
0x80: {  	_ =	sfence.sel $0x180000  }
0x81: {  	[bflag:$0x0] =	sbarrier.arrive $0xFFFF  }
0x82: {  	_ =	strace $0x9000004D  }
0x83: {  	s0 =	stileid.u32;
	[bflag:$0x2] =	sbarrier.arrive $0xFFFF  }
0x84: {  	p0 =	sne.s32 s0, $0x0;
	s0 =	rddreg [dreg:$0x2]  }
0x85: {  	s0 =	sadd.s32 @!p0 $0x100000, s0  }
0x86: {  	[sflag:s0] =	ssyncadd.tile.s32 @!p0 $0x1;
	_ =	shalt  }
.Lfunc_end2:
_tile_overlayer_lowered:
.L_overlay_start_2:
0x87: {  	(tag) =	ssettag $0x2  }
0x88: {  	s0 =	rddreg [dreg:$0x0];
	s2 =	stileid.u32  }
0x89: {  	s1 =	rddreg [dreg:$0x1];
	p0 =	sne.s32 s2, $0x0  }
0x8a: {  	s3 =	rddreg [dreg:$0x2];
	[bflag:$0x3] =	sbarrier.arrive $0xFFFF;
	s2 =	simm.s32 @!p0 $0x1C07  }
0x8b: {  	[timem:s3], [sflag:s2] =	dma.local @!p0 [hbm:s0], s1  }
0x8c: {  	s0 =	simm.s32 @!p0 $0x7  }
0x8d: {  	_ =	swait.ge @!p0 [sflag:s0], s1  }
0x8e: {  	s1 =	ssub.s32 @!p0 $0x0, s1;
	[sflag:s0] =	ssyncset.done @!p0 $0x0  }
0x8f: {  	[sflag:s0] =	ssyncadd.s32 @!p0 s1  }
0x90: {  	[bflag:$0x3] =	sbarrier.arrive $0xFFFF  }
0x91: {  	_ =	shalt  }

// kernel: kernel.8.cloned.1.call-start
scs
__scs_entry_jumppad:
0x0: {  	(pc) =	sbr.rel $0x88, $3  }
0x1: {  	(tag) =	ssettag $0x0;
	lr =	simm.s32 $0x1  }
0x2: {  	[smem:$0x3F9B] =	sst lr;
	_ =	strace $0xD0000000  }
0x3: {  	_ = 	snop  }
0x4: {  	_ = 	snop  }
0x5: {  	_ = 	snop  }
0x6: {  	_ = 	snop  }
0x7: {  	_ = 	snop  }
__scs_overlays_trampoline_lowered:
0x8: {  	[smem:$0x3FAA] =	sst s0  }
0x9: {  	[smem:$0x3FAB] =	sst s1  }
0xa: {  	[smem:$0x3FAC] =	sst s2  }
0xb: {  	[smem:$0x3FAD] =	sst s3  }
0xc: {  	[smem:$0x3FAE] =	sst s4  }
0xd: {  	[smem:$0x3FAF] =	sst s5  }
0xe: {  	[smem:$0x3FB0] =	sst s6  }
0xf: {  	[smem:$0x3FB1] =	sst s7  }
0x10: {  	[smem:$0x3FB2] =	sst s8  }
0x11: {  	[smem:$0x3FB3] =	sst s9;
	s0 =	simm.s32 @!p0 $0x0  }
0x12: {  	s1 =	sld [smem:$0x3F99];
	s0 =	simm.s32 @p0 $0x1  }
0x13: {  	[smem:$0x3FB4] =	sst s0;
	s0 =	simm.s32 @!p1 $0x0  }
0x14: {  	s2 =	sld [smem:$0x3F98];
	s0 =	simm.s32 @p1 $0x1  }
0x15: {  	[smem:$0x3FB5] =	sst s0;
	s0 =	simm.s32 @!p2 $0x0  }
0x16: {  	s3 =	sld [smem:$0x3FDB];
	s0 =	simm.s32 @p2 $0x1  }
0x17: {  	s4 =	simm.s32 $0x1BF5;
	[smem:$0x3FB7] =	sst s0  }
0x18: {  	s0 =	sld [smem:$0x3F9A];
	_ =	swait.ge [sflag:s4], $0x0  }
0x19: {  	s7 =	sld [smem:$0x3F9B]  }
0x1a: {  	s8 =	sadd.s32 $0xFFFFE003, lr  }
0x1b: {  	s9 =	sadd.s32 $0xFFFFFEF7, lr;
	s5 =	simm.s32 $0xFFFFFFFF;
	p2 =	slt.u32 s8, $0xFFFFF086  }
0x1c: {  	p1 =	slt.u32 s9, $0xF7A;
	s5 =	simm.s32 @!p2 $0x0  }
0x1d: {  	s5 =	simm.s32 @p1 $0x1;
	p0 =	seq.s32 s7, s2  }
0x1e: {  	s7 =	smul.u32 @!p0 $0xF7A, s2;
	p2 =	seq.s32 @!p0 s5, $0x0  }
0x1f: {  	s9 =	smul.u32 $0xF7A, s1;
	s8 =	simm.s32 @!p0 $0x1BF5;
	p2 =	por !p2, p0  }
0x20: {  	[sflag:s8] =	ssyncset.s32 @!p0 $0xFFFFF086;
	s6 =	sadd.s32 @!p0 s3, s7;
	s7 =	simm.s32 @!p0 $0x108  }
0x21: {  	s3 =	sadd.s32 s3, s9;
	s6 =	sadd.s32 @!p0 $0x88, s6;
	s7 =	simm.s32 @p2 $0x1082  }
0x22: {  	[simem:s7], [sflag:s8] =	dma.local @!p0 [hbm:s6], $0xF7A  }
0x23: {  	s9 =	sor.u32 $0xD0000000, s2;
	s6 =	simm.s32 $0x108;
	_ =	swait.ge @!p0 [sflag:s8], $0x0  }
0x24: {  	s3 =	sadd.s32 $0x88, s3;
	s6 =	simm.s32 @!p1 $0x1082;
	[sflag:s4] =	ssyncset.s32 $0xFFFFF086  }
0x25: {  	[simem:s6], [sflag:s4] =	dma.local [hbm:s3], $0xF7A  }
0x26: {  	[smem:$0x3F9B] =	sst s1;
	(tag) =	ssettag s2;
	_ =	strace s9  }
0x27: {  	s1 =	sld [smem:$0x3FAB]  }
0x28: {  	s2 =	sld [smem:$0x3FAC]  }
0x29: {  	s4 =	sld [smem:$0x3FAE]  }
0x2a: {  	p0 =	seq.s32 s5, $0x0;
	s5 =	sld [smem:$0x3FAF]  }
0x2b: {  	s6 =	sld [smem:$0x3FB0]  }
0x2c: {  	s7 =	sld [smem:$0x3FB1]  }
0x2d: {  	s3 =	simm.s32 $0x108;
	s8 =	sld [smem:$0x3FB2]  }
0x2e: {  	s3 =	simm.s32 @!p0 $0x1082;
	s9 =	sld [smem:$0x3FB3]  }
0x2f: {  	lr =	sadd.s32 s0, s3;
	s0 =	sld [smem:$0x3FAA]  }
0x30: {  	s3 =	sld [smem:$0x3FAD]  }
0x31: {  	[smem:$0x3FB6] =	sst s10  }
0x32: {  	s10 =	sld [smem:$0x3FB4];
	_ =	sdelay $0x3  }
0x33: {  	p0 =	seq.s32 s10, $0x1;
	s10 =	sld [smem:$0x3FB6];
	_ =	sdelay $0x3  }
0x34: {  	[smem:$0x3FB6] =	sst s10  }
0x35: {  	s10 =	sld [smem:$0x3FB5];
	_ =	sdelay $0x3  }
0x36: {  	p1 =	seq.s32 s10, $0x1;
	s10 =	sld [smem:$0x3FB6];
	_ =	sdelay $0x3  }
0x37: {  	[smem:$0x3FB6] =	sst s10  }
0x38: {  	s10 =	sld [smem:$0x3FB7]  }
0x39: {  	_ = 	snop;
	(pc) =	sbr.ind lr, $3  }
0x3a: {  	_ = 	snop  }
0x3b: {  	_ = 	snop  }
0x3c: {  	p2 =	seq.s32 s10, $0x1;
	s10 =	sld [smem:$0x3FB6]  }
0x3d: {  	_ =	shalt  }
0x3e: {  	_ =	shalt  }
0x3f: {  	_ =	shalt  }
0x40: {  	_ =	shalt  }
0x41: {  	_ =	shalt  }
0x42: {  	_ =	shalt  }
0x43: {  	_ =	shalt  }
0x44: {  	_ =	shalt  }
0x45: {  	_ =	shalt  }
0x46: {  	_ =	shalt  }
0x47: {  	_ =	shalt  }
0x48: {  	_ =	shalt  }
0x49: {  	_ =	shalt  }
0x4a: {  	_ =	shalt  }
0x4b: {  	_ =	shalt  }
0x4c: {  	_ =	shalt  }
0x4d: {  	_ =	shalt  }
0x4e: {  	_ =	shalt  }
0x4f: {  	_ =	shalt  }
0x50: {  	_ =	shalt  }
0x51: {  	_ =	shalt  }
0x52: {  	_ =	shalt  }
0x53: {  	_ =	shalt  }
0x54: {  	_ =	shalt  }
0x55: {  	_ =	shalt  }
0x56: {  	_ =	shalt  }
0x57: {  	_ =	shalt  }
0x58: {  	_ =	shalt  }
0x59: {  	_ =	shalt  }
0x5a: {  	_ =	shalt  }
0x5b: {  	_ =	shalt  }
0x5c: {  	_ =	shalt  }
0x5d: {  	_ =	shalt  }
0x5e: {  	_ =	shalt  }
0x5f: {  	_ =	shalt  }
0x60: {  	_ =	shalt  }
0x61: {  	_ =	shalt  }
0x62: {  	_ =	shalt  }
0x63: {  	_ =	shalt  }
0x64: {  	_ =	shalt  }
0x65: {  	_ =	shalt  }
0x66: {  	_ =	shalt  }
0x67: {  	_ =	shalt  }
0x68: {  	_ =	shalt  }
0x69: {  	_ =	shalt  }
0x6a: {  	_ =	shalt  }
0x6b: {  	_ =	shalt  }
0x6c: {  	_ =	shalt  }
0x6d: {  	_ =	shalt  }
0x6e: {  	_ =	shalt  }
0x6f: {  	_ =	shalt  }
0x70: {  	_ =	shalt  }
0x71: {  	_ =	shalt  }
0x72: {  	_ =	shalt  }
0x73: {  	_ =	shalt  }
0x74: {  	_ =	shalt  }
0x75: {  	_ =	shalt  }
0x76: {  	_ =	shalt  }
0x77: {  	_ =	shalt  }
0x78: {  	_ =	shalt  }
0x79: {  	_ =	shalt  }
0x7a: {  	_ =	shalt  }
0x7b: {  	_ =	shalt  }
0x7c: {  	_ =	shalt  }
0x7d: {  	_ =	shalt  }
0x7e: {  	_ =	shalt  }
0x7f: {  	_ =	shalt  }
0x80: {  	_ =	shalt  }
0x81: {  	_ =	shalt  }
0x82: {  	_ =	shalt  }
0x83: {  	_ =	shalt  }
0x84: {  	_ =	shalt  }
0x85: {  	_ =	shalt  }
0x86: {  	_ =	shalt  }
0x87: {  	_ =	shalt  }
.Lfunc_end0:
.L_simem_size_0:
called_computation_lowered:
.L_overlay_start_0:
0x88: {  	s2 =	sld [smem:$0x3FD9]  }
0x89: {  	s3 =	sld [smem:$0x3FFE];
	_ =	sdelay $0x1  }
0x8a: {  	s1 =	srdreg.scid  }
0x8b: {  	s0 =	sand.u32 $0x1, s1  }
0x8c: {  	s17 =	sshll.u32 s0, $0xA;
	s2 =	sadd.s32 s3, s2  }
0x8d: {  	s2 =	sadd.s32 s2, s17  }
0x8e: {  	[smem:$0x3FC2] =	sst s2  }
0x8f: {  	_ = 	snop  }
0x90: {  	s2 =	sld [smem:$0x3FD0];
	(tm) =	ssettm $0x1  }
0x91: {  	s18 =	sld [smem:$0x3FFB];
	_ =	sdelay $0x3  }
0x92: {  	_ =	strace s18  }
0x93: {  	s3 =	sld [smem:$0x3FFC];
	_ =	sdelay $0x3  }
0x94: {  	_ =	strace s3  }
0x95: {  	s3 =	sld [smem:$0x3FFD];
	_ =	sdelay $0x3  }
0x96: {  	_ =	strace s3  }
0x97: {  	_ =	strace $0x8FFFFFFF  }
0x98: {  	s19 =	sld [smem:$0x3FDB];
	_ =	sdelay $0x1  }
0x99: {  	s4 =	simm.s32 $_scs_section_size  }
0x9a: {  	s5 =	simm.s32 $_size__tile_overlayer_lowered;
	s6 =	simm.s32 $_tile_overlayer_lowered  }
0x9b: {  	s22 =	simm.s32 $0x1BFF;
	s21 =	sshll.u32 s6, $0x1;
	s3 =	sadd.s32 s4, s19  }
0x9c: {  	s7 =	simm.s32 $0x0;
	s20 =	sshll.u32 s5, $0x1;
	s5 =	sadd.s32 s21, s3  }
0x9d: {  	[timem:s7], [sflag:s22] =	dma.local [hbm:s5], s20  }
0x9e: {  	_ =	swait.ge [sflag:s22], s20  }
0x9f: {  	s4 =	ssub.s32 $0x0, s20;
	[sflag:s22] =	ssyncset.done $0x0  }
0xa0: {  	[sflag:s22] =	ssyncadd.s32 s4;
	_ =	sdelay $0x1  }
0xa1: {  	s23 =	simm.s32 $0x1B8B  }
0xa2: {  	_ =	swait.ge [sflag:s23], $0x1  }
0xa3: {  	[sflag:s23] =	ssyncset.done $0x0  }
0xa4: {  	s25 =	simm.s32 $0x1B8E;
	s24 =	sld [smem:$0x3FFE];
	[sflag:s23] =	ssyncadd.s32 $0xFFFFFFFF  }
0xa5: {  	s26 =	simm.s32 $execute0_lowered;
	[smem:$0x3FD2] =	sst s25  }
0xa6: {  	s5 =	sshll.u32 s26, $0x1;
	_ =	strace $0x80000046;
	[dreg:$0x1] =	wrdreg $0xFFFFFFFF  }
0xa7: {  	s28 =	simm.s32 $_size_execute0_lowered;
	s3 =	sadd.s32 s3, s5;
	[dreg:$0x0] =	wrdreg $0x0  }
0xa8: {  	s5 =	sshll.u32 s28, $0x1;
	[dreg:$0x2] =	wrdreg s3  }
0xa9: {  	[dreg:$0x3] =	wrdreg s5  }
0xaa: {  	[dreg:$0x4] =	wrdreg $0xC0  }
0xab: {  	_ =	task [dreg:s7], $0x5FFFF  }
0xac: {  	[dreg:$0x1] =	wrdreg $0xFFFFFFFF  }
0xad: {  	[dreg:$0x0] =	wrdreg $0x60  }
0xae: {  	[dreg:$0x2] =	wrdreg s24  }
0xaf: {  	[dreg:$0x3] =	wrdreg s2  }
0xb0: {  	[dreg:$0x4] =	wrdreg $0x2EE00  }
0xb1: {  	[dreg:$0x5] =	wrdreg $0x9  }
0xb2: {  	_ =	task.clear_ibuf [dreg:s7], $0x6FFFF;
	_ =	strace $0x90000046  }
0xb3: {  	s29 =	simm.s32 $0x9;
	_ =	strace $0x80000048  }
0xb4: {  	_ =	swait.ge [sflag:s29], $0x1  }
0xb5: {  	[sflag:s29] =	ssyncadd.s32 $0xFFFFFFFF  }
0xb6: {  	_ =	strace $0x90000048  }
0xb7: {  	_ =	sfence  }
0xb8: {  	s30 =	sld [smem:$0x0];
	_ =	sdelay $0x2  }
0xb9: {  	s31 =	sshll.u32 s1, $0xD;
	s1 =	sshrl.u32 s1, $0x2  }
0xba: {  	s3 =	sand.u32 $0x4000, s31;
	s1 =	sadd.s32 s1, s30  }
0xbb: {  	s0 =	sor.u32 s3, s0;
	s1 =	sshll.u32 s1, $0x11  }
0xbc: {  	s0 =	sor.u32 s1, s0  }
0xbd: {  	s0 =	sadd.s32 $0x8F2B, s0  }
0xbe: {  	[sflag:s0] =	ssyncadd.remote.s32 $0x1  }
0xbf: {  	_ =	sfence.sel $0xFFFF  }
0xc0: {  	[dreg:$0x0] =	wrdreg $0xFFFFFFFF;
	(pc) =	sbr.abs _section_cstart, $3  }
0xc1: {  	[dreg:$0x1] =	wrdreg $0xFFFFFFFF  }
0xc2: {  	_ =	task.clear_ibuf [dreg:s7], $0x2FFFF;
	_ =	strace $0x9FFFFFFF  }
0xc3: {  	(tm) =	ssettm $0x7FFFFFFF  }
tec
execute0_lowered:
.L_overlay_start_1:
0x0: {  	(tag) =	ssettag $0x1  }
0x1: {  	s16 =	rddreg [dreg:$0x0]  }
0x2: {  	s2 =	rddreg [dreg:$0x1]  }
0x3: {  	s3 =	rddreg [dreg:$0x2]  }
0x4: {  	s0 =	stileid.u32;
	s1 =	rddreg [dreg:$0x3]  }
0x5: {  	s4 =	simm.s32 $0x0;
	s6 =	srdreg.scid;
	s17 =	smul.u32 $0x280, s0  }
0x6: {  	[smem:$0x7FF] =	sst s4;
	s18 =	sand.u32 $0x1, s6  }
0x7: {  	s29 =	sshll.u32 s0, $0x6;
	_ =	strace $0x80000047;
	s5 =	sshrl.u32 s17, $0x3  }
0x8: {  	s6 =	sor.u32 $0x1C02, s29;
	s7 =	sadd.s32 s17, s3;
	s5 =	sadd.s32 s5, s16  }
0x9: {  	s8 =	sshrl.u32 s7, $0x3;
	s7 =	simm.s32 $0x2;
	s5 =	sadd.s32 $0x15600, s5  }
0xa: {  	[spmem:s8], [sflag:s6] =	dma.local [hbm:s5], $0x50  }
0xb: {  	s9 =	sshll.u32 s18, $0x4;
	_ =	swait.ge [sflag:s7], $0x50  }
0xc: {  	s9 =	sor.u32 s0, s9;
	[sflag:s7] =	ssyncset.done $0x0  }
0xd: {  	s10 =	smul.u32 $0x2710, s9;
	s9 =	simm.s32 $0x2710;
	[sflag:s7] =	ssyncadd.s32 $0xFFFFFFB0  }
0xe: {  	[tilespmem:s9], [sflag:$0x2] =	stream.linear.gather [hbm4b:s2+s4], $0x7D0, $0x38;
	[tilespmem:$0x3160] =	vst v63  }
0xf: {  	s10 =	sshrl.u32 s10, $0x3;
	_ =	swait.ge [sflag:s7], $0x7D0  }
0x10: {  	s10 =	sadd.s32 s16, s10;
	[sflag:s7] =	ssyncset.done $0x0  }
0x11: {  	s10 =	sadd.s32 $0xB840, s10;
	[sflag:s7] =	ssyncadd.s32 $0xFFFFF830  }
0x12: {  	[tilespmem:s4], [sflag:$0x2] =	stream.linear.gather [hbm4b:s10+s4], $0x2710, $0x38;
	[tilespmem:$0x3160] =	vst v63  }
0x13: {  	_ =	swait.ge [sflag:s7], $0x2710  }
0x14: {  	[sflag:s7] =	ssyncset.done $0x0  }
0x15: {  	[sflag:s7] =	ssyncadd.s32 $0xFFFFD8F0  }
0x16: {  	s11 =	simm.s32 $0x7D0;
	[bflag:$0x0] =	sbarrier.arrive $0xFFFF  }
0x17: {  	[spmem:s3] =	stream.indirect.scatter.add.f32 [tilespmem:s9], [sflag:$0x1], $0x1, s4, s11, $0xb8;
	[tilespmem:$0x3160] =	vst v63  }
0x18: {  	_ = 	snop  }
0x19: {  	[spmem:s3] =	stream.indirect.scatter.add.f32 [tilespmem:s9], [sflag:$0x1], $0x1, s11, s11, $0xb8;
	[tilespmem:$0x3160] =	vst v63  }
0x1a: {  	s12 =	simm.s32 $0xFA0  }
0x1b: {  	[spmem:s3] =	stream.indirect.scatter.add.f32 [tilespmem:s9], [sflag:$0x1], $0x1, s12, s11, $0xb8;
	[tilespmem:$0x3160] =	vst v63  }
0x1c: {  	s13 =	simm.s32 $0x1770  }
0x1d: {  	[spmem:s3] =	stream.indirect.scatter.add.f32 [tilespmem:s9], [sflag:$0x1], $0x1, s13, s11, $0xb8;
	[tilespmem:$0x3160] =	vst v63  }
0x1e: {  	s14 =	simm.s32 $0x1F40;
	s15 =	simm.s32 $0x1  }
0x1f: {  	[spmem:s3] =	stream.indirect.scatter.add.f32 [tilespmem:s9], [sflag:$0x1], $0x1, s14, s11, $0xb8;
	[tilespmem:$0x3160] =	vst v63  }
0x20: {  	_ =	swait.ge [sflag:s15], $0x7D0  }
0x21: {  	[sflag:s15] =	ssyncset.done $0x0  }
0x22: {  	[sflag:s15] =	ssyncadd.s32 $0xFFFFF830  }
0x23: {  	_ =	swait.ge [sflag:s15], $0x7D0  }
0x24: {  	[sflag:s15] =	ssyncset.done $0x0  }
0x25: {  	[sflag:s15] =	ssyncadd.s32 $0xFFFFF830  }
0x26: {  	_ =	swait.ge [sflag:s15], $0x7D0  }
0x27: {  	[sflag:s15] =	ssyncset.done $0x0  }
0x28: {  	s19 =	smul.u32 $0x2800, s18;
	[sflag:s15] =	ssyncadd.s32 $0xFFFFF830  }
0x29: {  	s18 =	ssub.s32 $0x2, s18;
	_ =	swait.ge [sflag:s15], $0x7D0  }
0x2a: {  	s30 =	sshrl.u32 s18, $0x1;
	s17 =	sadd.s32 s17, s19;
	[sflag:s15] =	ssyncset.done $0x0  }
0x2b: {  	s31 =	ssub.s32 s18, s30;
	s17 =	sshrl.u32 s17, $0x3;
	[sflag:s15] =	ssyncadd.s32 $0xFFFFF830  }
0x2c: {  	s16 =	sadd.s32 s17, s16;
	s17 =	smax.u32 s31, $0x1;
	_ =	swait.ge [sflag:s15], $0x7D0  }
0x2d: {  	p0 =	sne.s32 s17, $0x1;
	[sflag:s15] =	ssyncset.done $0x0  }
.Ltmp0:
0x2e: {  	[sflag:s15] =	ssyncadd.s32 $0xFFFFF830;
	(pc) =	sbr.rel @!p0 .LBB2_2-.Ltmp0, $4  }
0x2f: {  	s16 =	sadd.s32 $0x15C00, s16;
	[bflag:$0x0] =	sbarrier.arrive $0xFFFF  }
0x30: {  	[hbm:s16], [sflag:s6] =	dma.local [spmem:s8], $0x50  }
0x31: {  	_ =	swait.ge [sflag:s7], $0x50  }
0x32: {  	s17 =	sadd.s32 $0xFFFFFFFF, s17;
	[sflag:s7] =	ssyncset.done $0x0  }
.LBB2_1:
0x33: {  	p0 =	sne.s32 s17, $0x1;
	s17 =	sadd.s32 $0xFFFFFFFF, s17;
	[sflag:s7] =	ssyncadd.s32 $0xFFFFFFB0  }
0x34: {  	[spmem:s8], [sflag:s6] =	dma.local [hbm:s5], $0x50  }
0x35: {  	_ =	swait.ge [sflag:s7], $0x50  }
0x36: {  	[sflag:s7] =	ssyncset.done $0x0  }
0x37: {  	[sflag:s7] =	ssyncadd.s32 $0xFFFFFFB0  }
0x38: {  	[tilespmem:s9], [sflag:$0x2] =	stream.linear.gather [hbm4b:s2+s4], $0x7D0, $0x38;
	[tilespmem:$0x3160] =	vst v63  }
0x39: {  	_ =	swait.ge [sflag:s7], $0x7D0  }
0x3a: {  	[sflag:s7] =	ssyncset.done $0x0  }
0x3b: {  	[sflag:s7] =	ssyncadd.s32 $0xFFFFF830  }
0x3c: {  	[tilespmem:s4], [sflag:$0x2] =	stream.linear.gather [hbm4b:s10+s4], $0x2710, $0x38;
	[tilespmem:$0x3160] =	vst v63  }
0x3d: {  	_ =	swait.ge [sflag:s7], $0x2710  }
0x3e: {  	[sflag:s7] =	ssyncset.done $0x0  }
0x3f: {  	[sflag:s7] =	ssyncadd.s32 $0xFFFFD8F0  }
0x40: {  	[bflag:$0x0] =	sbarrier.arrive $0xFFFF  }
0x41: {  	[spmem:s3] =	stream.indirect.scatter.add.f32 [tilespmem:s9], [sflag:$0x1], $0x1, s4, s11, $0xb8;
	[tilespmem:$0x3160] =	vst v63  }
0x42: {  	_ = 	snop  }
0x43: {  	[spmem:s3] =	stream.indirect.scatter.add.f32 [tilespmem:s9], [sflag:$0x1], $0x1, s11, s11, $0xb8;
	[tilespmem:$0x3160] =	vst v63  }
0x44: {  	_ = 	snop  }
0x45: {  	[spmem:s3] =	stream.indirect.scatter.add.f32 [tilespmem:s9], [sflag:$0x1], $0x1, s12, s11, $0xb8;
	[tilespmem:$0x3160] =	vst v63  }
0x46: {  	_ = 	snop  }
0x47: {  	[spmem:s3] =	stream.indirect.scatter.add.f32 [tilespmem:s9], [sflag:$0x1], $0x1, s13, s11, $0xb8;
	[tilespmem:$0x3160] =	vst v63  }
0x48: {  	_ = 	snop  }
0x49: {  	[spmem:s3] =	stream.indirect.scatter.add.f32 [tilespmem:s9], [sflag:$0x1], $0x1, s14, s11, $0xb8;
	[tilespmem:$0x3160] =	vst v63  }
0x4a: {  	_ =	swait.ge [sflag:s15], $0x7D0  }
0x4b: {  	[sflag:s15] =	ssyncset.done $0x0  }
0x4c: {  	[sflag:s15] =	ssyncadd.s32 $0xFFFFF830  }
0x4d: {  	_ =	swait.ge [sflag:s15], $0x7D0  }
0x4e: {  	[sflag:s15] =	ssyncset.done $0x0  }
0x4f: {  	[sflag:s15] =	ssyncadd.s32 $0xFFFFF830  }
0x50: {  	_ =	swait.ge [sflag:s15], $0x7D0  }
0x51: {  	[sflag:s15] =	ssyncset.done $0x0  }
0x52: {  	[sflag:s15] =	ssyncadd.s32 $0xFFFFF830  }
0x53: {  	_ =	swait.ge [sflag:s15], $0x7D0  }
0x54: {  	[sflag:s15] =	ssyncset.done $0x0  }
0x55: {  	[sflag:s15] =	ssyncadd.s32 $0xFFFFF830  }
0x56: {  	_ =	swait.ge [sflag:s15], $0x7D0  }
0x57: {  	[sflag:s15] =	ssyncset.done $0x0  }
.Ltmp1:
0x58: {  	[sflag:s15] =	ssyncadd.s32 $0xFFFFF830;
	(pc) =	sbr.rel @p0 .LBB2_1-.Ltmp1, $4  }
0x59: {  	[bflag:$0x0] =	sbarrier.arrive $0xFFFF  }
0x5a: {  	[hbm:s16], [sflag:s6] =	dma.local [spmem:s8], $0x50  }
0x5b: {  	_ =	swait.ge [sflag:s7], $0x50  }
0x5c: {  	[sflag:s7] =	ssyncset.done $0x0  }
.LBB2_2:
0x5d: {  	[sflag:s7] =	ssyncadd.s32 $0xFFFFFFB0  }
0x5e: {  	_ =	sfence.sel $0x180000  }
0x5f: {  	[bflag:$0x0] =	sbarrier.arrive $0xFFFF  }
0x60: {  	p0 =	sne.s32 s0, $0x0;
	_ =	strace $0x90000047  }
0x61: {  	s0 =	sadd.s32 @!p0 $0x100000, s1;
	[bflag:$0x2] =	sbarrier.arrive $0xFFFF  }
0x62: {  	[sflag:s0] =	ssyncadd.tile.s32 @!p0 $0x1;
	_ =	shalt  }
.Lfunc_end2:
_tile_overlayer_lowered:
.L_overlay_start_2:
0x63: {  	(tag) =	ssettag $0x2  }
0x64: {  	s0 =	rddreg [dreg:$0x0];
	s2 =	stileid.u32  }
0x65: {  	s1 =	rddreg [dreg:$0x1];
	p0 =	sne.s32 s2, $0x0  }
0x66: {  	s3 =	rddreg [dreg:$0x2];
	[bflag:$0x3] =	sbarrier.arrive $0xFFFF;
	s2 =	simm.s32 @!p0 $0x1C02  }
0x67: {  	[timem:s3], [sflag:s2] =	dma.local @!p0 [hbm:s0], s1  }
0x68: {  	s0 =	simm.s32 @!p0 $0x2  }
0x69: {  	_ =	swait.ge @!p0 [sflag:s0], s1  }
0x6a: {  	s1 =	ssub.s32 @!p0 $0x0, s1;
	[sflag:s0] =	ssyncset.done @!p0 $0x0  }
0x6b: {  	[sflag:s0] =	ssyncadd.s32 @!p0 s1  }
0x6c: {  	[bflag:$0x3] =	sbarrier.arrive $0xFFFF  }
0x6d: {  	_ =	shalt  }

</sc_bundles>
